<compile_context>
chip_gen: v7x
topology: tpu7x:2x2x1
jax: 0.10.2.dev20260603
libtpu: 0.0.44.dev20260713+nightly
codegen_flags: <defaults>
</compile_context>

<pallas_src>
import functools
import math

import jax
import jax.numpy as jnp
from jax import lax
from jax.experimental import pallas as pl
from jax.experimental.pallas import tpu as pltpu
from jax.experimental.pallas import tpu_sc as plsc

_D = 64
_NA = 100000
_SEQ = 200
_OSEQ = 201
_EPS = 1e-12
_SCALE = math.sqrt(_D)

_NC = 2
_NS = 16
_NW = _NC * _NS
_CHUNK = 100


def _rsqrt_vec(v):
  i = lax.bitcast_convert_type(v, jnp.int32)
  y = lax.bitcast_convert_type(jnp.int32(0x5F3759DF) - (i >> 1), jnp.float32)
  hv = v * 0.5
  y = y * (1.5 - hv * y * y)
  return y


_GATHER_DNUMS = lax.GatherDimensionNumbers(
    offset_dims=(), collapsed_slice_dims=(0,), start_index_map=(0,))


def _shuffle(v, idx):
  return lax.gather(v, idx[:, None], _GATHER_DNUMS, (1,),
                    mode=lax.GatherScatterMode.PROMISE_IN_BOUNDS)


def _allsum(v):
  lanes = lax.iota(jnp.int32, 16)
  for k in (8, 4, 2, 1):
    v = v + _shuffle(v, lanes ^ k)
  return v


def _ln_row(xc, pec, gc, bc):
  y = [xc[j] + pec[j] for j in range(4)]
  s = (y[0] + y[1]) + (y[2] + y[3])
  q = (y[0] * y[0] + y[1] * y[1]) + (y[2] * y[2] + y[3] * y[3])
  mean = _allsum(s) * (1.0 / _D)
  msq = _allsum(q) * (1.0 / _D)
  var = jnp.maximum(msq - mean * mean, 0.0)
  rs = _rsqrt_vec(var + _EPS)
  return [(y[j] - mean) * (rs * gc[j]) + bc[j] for j in range(4)]


_PSEQ = 208
_PD = 128


def _sc_body(acts_hbm, table_hbm, pe_hbm, gam_hbm, bet_hbm, out_hbm,
             act_v, pe_v, gam_v, bet_v, cls_v,
             in0, in1, out0, out1,
             gsem0, gsem1, wsem0, wsem1):
  b_per_w = out_hbm.shape[0] // _NW
  wid = lax.axis_index("s") * _NC + lax.axis_index("c")

  pltpu.sync_copy(pe_hbm, pe_v)
  pltpu.sync_copy(gam_hbm, gam_v)
  pltpu.sync_copy(bet_hbm, bet_v)
  pltpu.sync_copy(acts_hbm.at[pl.ds(wid * (2 * b_per_w), 2 * b_per_w)], act_v)
  pltpu.sync_copy(table_hbm.at[pl.ds(_NA, 1)], cls_v)

  gc = [gam_v[pl.ds(16 * j, 16)] for j in range(4)]
  bc = [bet_v[pl.ds(16 * j, 16)] for j in range(4)]

  cls_o = _ln_row([cls_v[0, pl.ds(16 * j, 16)] for j in range(4)],
                  [pe_v[0, pl.ds(16 * j, 16)] for j in range(4)], gc, bc)
  for j in range(4):
    out0[0, pl.ds(16 * j, 16)] = cls_o[j]
    out1[0, pl.ds(16 * j, 16)] = cls_o[j]

  ins = (in0, in1)
  outs = (out0, out1)
  gsems = (gsem0, gsem1)
  wsems = (wsem0, wsem1)

  def issue_gather(b, in_ref, gsem):
    for j in range(2):
      pltpu.async_copy(table_hbm.at[act_v.at[2 * b + j]],
                       in_ref.at[pl.ds(j * _CHUNK, _CHUNK)], gsem)

  def wait_gather(in_ref, gsem):
    pltpu.make_async_copy(table_hbm.at[pl.ds(0, _SEQ)], in_ref, gsem).wait()

  def compute(in_ref, out_ref):
    @pl.loop(0, _SEQ)
    def _(r):
      xc = [in_ref[r, pl.ds(16 * j, 16)] for j in range(4)]
      pec = [pe_v[r + 1, pl.ds(16 * j, 16)] for j in range(4)]
      o = _ln_row(xc, pec, gc, bc)
      for j in range(4):
        out_ref[r + 1, pl.ds(16 * j, 16)] = o[j]

  issue_gather(0, in0, gsem0)
  issue_gather(1, in1, gsem1)

  @pl.loop(0, b_per_w // 2)
  def _(k):
    for p in range(2):
      b = 2 * k + p
      wait_gather(ins[p], gsems[p])

      @pl.when(k > 0)
      def _():
        pltpu.make_async_copy(
            outs[p], out_hbm.at[0, pl.ds(0, _OSEQ), pl.ds(0, _D)],
            wsems[p]).wait()

      compute(ins[p], outs[p])
      pltpu.async_copy(
          outs[p],
          out_hbm.at[wid * b_per_w + b, pl.ds(0, _OSEQ), pl.ds(0, _D)],
          wsems[p])

      @pl.when(k < b_per_w // 2 - 1)
      def _():
        issue_gather(b + 2, ins[p], gsems[p])

  pltpu.make_async_copy(
      out0, out_hbm.at[0, pl.ds(0, _OSEQ), pl.ds(0, _D)], wsem0).wait()
  pltpu.make_async_copy(
      out1, out_hbm.at[0, pl.ds(0, _OSEQ), pl.ds(0, _D)], wsem1).wait()


@jax.jit
def _embed_ln(acts2, table, pe, gam, bet):
  batch = (acts2.shape[0] * _CHUNK) // _SEQ
  b_per_w = batch // _NW
  mesh = plsc.VectorSubcoreMesh(core_axis_name="c", subcore_axis_name="s")
  f = pl.kernel(
      _sc_body,
      out_type=jax.ShapeDtypeStruct((batch, _PSEQ, _PD), jnp.float32),
      mesh=mesh,
      compiler_params=pltpu.CompilerParams(use_tc_tiling_on_sc=False),
      scratch_types=[
          pltpu.VMEM((2 * b_per_w, _CHUNK), jnp.int32),
          pltpu.VMEM((_OSEQ, _D), jnp.float32),
          pltpu.VMEM((_D,), jnp.float32),
          pltpu.VMEM((_D,), jnp.float32),
          pltpu.VMEM((1, _D), jnp.float32),
          pltpu.VMEM((_SEQ, _D), jnp.float32),
          pltpu.VMEM((_SEQ, _D), jnp.float32),
          pltpu.VMEM((_OSEQ, _D), jnp.float32),
          pltpu.VMEM((_OSEQ, _D), jnp.float32),
          pltpu.SemaphoreType.DMA,
          pltpu.SemaphoreType.DMA,
          pltpu.SemaphoreType.DMA,
          pltpu.SemaphoreType.DMA,
      ],
  )
  return f(acts2, table, pe, gam, bet)


def kernel(actions, att_mask, table, ln_gamma, ln_beta, pe):
  batch, seq = actions.shape
  acts2 = actions.reshape((batch * seq) // _CHUNK, _CHUNK)
  big = _embed_ln(acts2, table, pe * (1.0 / _SCALE), ln_gamma, ln_beta)
  x = big[:, :_OSEQ, :_D]
  mask = jnp.concatenate(
      [jnp.ones((batch, 1), dtype=att_mask.dtype), att_mask], axis=1)
  return (x, mask)

# --- scband reference (transcript-rebuilt; emitter-appended) ---
"""Pipeline reference for scband-action-processor-46145128628545 (READ-ONLY COPY).

The authoritative reference and input builder live on the scoring server;
editing this copy changes nothing except your own understanding.
"""

import jax, jax.numpy as jnp
import numpy as np
import math

D_MODEL = 64
NUM_ACTIONS = 100000
MAX_SEQ_LENGTH = 200
MAX_POS_EMB = MAX_SEQ_LENGTH + 1  # 201
EPS = 1e-12
BATCH = 4096
TRAJ = 200


def make_sincos_pe(max_pos, d_model):
    position = np.arange(max_pos, dtype=np.float64)[:, None]
    div_term = np.exp(np.arange(0, d_model, 2, dtype=np.float64) * (-math.log(10000.0) / d_model))
    pe = np.zeros((max_pos, d_model), dtype=np.float32)
    pe[:, 0::2] = np.sin(position * div_term)
    pe[:, 1::2] = np.cos(position * div_term)
    return jnp.asarray(pe)


def setup_inputs(seed: int = 0) -> dict:
    key = jax.random.key(seed)
    k1, k2 = jax.random.split(key)
    actions = jax.random.randint(k1, (BATCH, TRAJ), 0, NUM_ACTIONS, dtype=jnp.int32)
    att_mask = jnp.ones((BATCH, TRAJ), dtype=jnp.int32)
    # learned parameters
    table = jax.random.normal(k2, (NUM_ACTIONS + 1, D_MODEL), dtype=jnp.float32) * 0.02
    ln_gamma = jnp.ones((D_MODEL,), dtype=jnp.float32)
    ln_beta = jnp.zeros((D_MODEL,), dtype=jnp.float32)
    pe = make_sincos_pe(MAX_POS_EMB, D_MODEL)  # registered buffer (non-learned)
    return {"actions": actions, "att_mask": att_mask, "table": table,
            "ln_gamma": ln_gamma, "ln_beta": ln_beta, "pe": pe}


def reference(actions, att_mask, table, ln_gamma, ln_beta, pe):
    batch_size = actions.shape[0]
    # prepend CLS token id (== num_actions)
    cls_col = jnp.full((batch_size, 1), NUM_ACTIONS, dtype=actions.dtype)
    acts = jnp.concatenate([cls_col, actions], axis=1)
    mask = jnp.concatenate([jnp.ones((batch_size, 1), dtype=att_mask.dtype), att_mask], axis=1)
    # embedding lookup (SparseCore gather)
    input_embeds = jnp.take(table, acts, axis=0)
    seq_len = acts.shape[1]
    pos_emb = pe[:seq_len]
    x = input_embeds * math.sqrt(D_MODEL) + pos_emb[None, :, :]
    # LayerNorm (eps=1e-12), dropout is identity (p=0 / eval mode)
    mean = jnp.mean(x, axis=-1, keepdims=True)
    var = jnp.mean((x - mean) ** 2, axis=-1, keepdims=True)
    x = (x - mean) / jnp.sqrt(var + EPS) * ln_gamma + ln_beta
    return (x, mask)

if __name__ == "__main__":
    import jax
    _d = setup_inputs()
    print(jax.jit(kernel)(*tuple(_d.values())))

</pallas_src>

<mosaic_0001>
#map = affine_map<(d0, d1) -> (0, 0)>
#map1 = affine_map<(d0, d1) -> (0)>
#map2 = affine_map<(d0, d1) -> (0, 0, 0)>
module attributes {stable_mosaic.version = 14 : i64} {
  func.func @_sc_body(%arg0: i32, %arg1: i32, %arg2: memref<8192x100xi32, #tpu.memory_space<hbm>>, %arg3: memref<100001x64xf32, #tpu.memory_space<hbm>>, %arg4: memref<201x64xf32, #tpu.memory_space<hbm>>, %arg5: memref<64xf32, #tpu.memory_space<hbm>>, %arg6: memref<64xf32, #tpu.memory_space<hbm>>, %arg7: memref<4096x208x128xf32, #tpu.memory_space<hbm>>, %arg8: memref<256x100xi32, #tpu.memory_space<vmem>>, %arg9: memref<201x64xf32, #tpu.memory_space<vmem>>, %arg10: memref<64xf32, #tpu.memory_space<vmem>>, %arg11: memref<64xf32, #tpu.memory_space<vmem>>, %arg12: memref<1x64xf32, #tpu.memory_space<vmem>>, %arg13: memref<200x64xf32, #tpu.memory_space<vmem>>, %arg14: memref<200x64xf32, #tpu.memory_space<vmem>>, %arg15: memref<201x64xf32, #tpu.memory_space<vmem>>, %arg16: memref<201x64xf32, #tpu.memory_space<vmem>>, %arg17: memref<!tpu.dma_semaphore, #tpu.memory_space<semaphore_mem>>, %arg18: memref<!tpu.dma_semaphore, #tpu.memory_space<semaphore_mem>>, %arg19: memref<!tpu.dma_semaphore, #tpu.memory_space<semaphore_mem>>, %arg20: memref<!tpu.dma_semaphore, #tpu.memory_space<semaphore_mem>>) attributes {dimension_semantics = [#tpu.dimension_semantics<core_parallel>, #tpu.dimension_semantics<subcore_parallel>], iteration_bounds = array<i64: 2, 16>, scalar_prefetch = 0 : i64, scratch_operands = 13 : i64, tpu.core_type = #tpu.core_type<sc_vector_subcore>, window_params = [{transform_indices = #map}, {transform_indices = #map}, {transform_indices = #map}, {transform_indices = #map1}, {transform_indices = #map1}, {transform_indices = #map2}]} {
    %mul3A = arith.constant 2 : i32
    %mul3A_0 = arith.muli %arg1, %mul3A : i32
    %add3A = arith.addi %mul3A_0, %arg0 : i32
    "tpu.region"() ({
      %run_scoped3A = tpu.sem_alloc : memref<!tpu.dma_semaphore, #tpu.memory_space<semaphore_mem>>
      tpu.enqueue_dma source(%arg4 : memref<201x64xf32, #tpu.memory_space<hbm>>) target(%arg9 : memref<201x64xf32, #tpu.memory_space<vmem>>) target_semaphore(%run_scoped3A : memref<!tpu.dma_semaphore, #tpu.memory_space<semaphore_mem>>)
      tpu.wait_dma2 semaphore(%run_scoped3A : memref<!tpu.dma_semaphore, #tpu.memory_space<semaphore_mem>>) src(%arg4 : memref<201x64xf32, #tpu.memory_space<hbm>>) dst(%arg9 : memref<201x64xf32, #tpu.memory_space<vmem>>)
      tpu.yield
    }) : () -> ()
    "tpu.region"() ({
      %run_scoped3A = tpu.sem_alloc : memref<!tpu.dma_semaphore, #tpu.memory_space<semaphore_mem>>
      tpu.enqueue_dma source(%arg5 : memref<64xf32, #tpu.memory_space<hbm>>) target(%arg10 : memref<64xf32, #tpu.memory_space<vmem>>) target_semaphore(%run_scoped3A : memref<!tpu.dma_semaphore, #tpu.memory_space<semaphore_mem>>)
      tpu.wait_dma2 semaphore(%run_scoped3A : memref<!tpu.dma_semaphore, #tpu.memory_space<semaphore_mem>>) src(%arg5 : memref<64xf32, #tpu.memory_space<hbm>>) dst(%arg10 : memref<64xf32, #tpu.memory_space<vmem>>)
      tpu.yield
    }) : () -> ()
    "tpu.region"() ({
      %run_scoped3A = tpu.sem_alloc : memref<!tpu.dma_semaphore, #tpu.memory_space<semaphore_mem>>
      tpu.enqueue_dma source(%arg6 : memref<64xf32, #tpu.memory_space<hbm>>) target(%arg11 : memref<64xf32, #tpu.memory_space<vmem>>) target_semaphore(%run_scoped3A : memref<!tpu.dma_semaphore, #tpu.memory_space<semaphore_mem>>)
      tpu.wait_dma2 semaphore(%run_scoped3A : memref<!tpu.dma_semaphore, #tpu.memory_space<semaphore_mem>>) src(%arg6 : memref<64xf32, #tpu.memory_space<hbm>>) dst(%arg11 : memref<64xf32, #tpu.memory_space<vmem>>)
      tpu.yield
    }) : () -> ()
    %mul3A_1 = arith.constant 256 : i32
    %mul3A_2 = arith.muli %add3A, %mul3A_1 : i32
    "tpu.region"() ({
      %run_scoped3A = tpu.sem_alloc : memref<!tpu.dma_semaphore, #tpu.memory_space<semaphore_mem>>
      %dma_start3A_284 = arith.constant 0 : i32
      %dma_start3A_285 = tpu.memref_slice %arg2[%mul3A_2, %dma_start3A_284] : memref<8192x100xi32, #tpu.memory_space<hbm>> -> memref<256x100xi32, #tpu.memory_space<hbm>>
      %dma_start3A_286 = arith.constant 0 : i32
      %dma_start3A_287 = tpu.memref_slice %arg2[%mul3A_2, %dma_start3A_286] : memref<8192x100xi32, #tpu.memory_space<hbm>> -> memref<256x100xi32, #tpu.memory_space<hbm>>
      tpu.enqueue_dma source(%dma_start3A_287 : memref<256x100xi32, #tpu.memory_space<hbm>>) target(%arg8 : memref<256x100xi32, #tpu.memory_space<vmem>>) target_semaphore(%run_scoped3A : memref<!tpu.dma_semaphore, #tpu.memory_space<semaphore_mem>>)
      %dma_wait3A_288 = arith.constant 0 : i32
      %dma_wait3A_289 = tpu.memref_slice %arg2[%mul3A_2, %dma_wait3A_288] : memref<8192x100xi32, #tpu.memory_space<hbm>> -> memref<256x100xi32, #tpu.memory_space<hbm>>
      %dma_wait3A_290 = arith.constant 0 : i32
      %dma_wait3A_291 = tpu.memref_slice %arg2[%mul3A_2, %dma_wait3A_290] : memref<8192x100xi32, #tpu.memory_space<hbm>> -> memref<256x100xi32, #tpu.memory_space<hbm>>
      tpu.wait_dma2 semaphore(%run_scoped3A : memref<!tpu.dma_semaphore, #tpu.memory_space<semaphore_mem>>) src(%dma_wait3A_291 : memref<256x100xi32, #tpu.memory_space<hbm>>) dst(%arg8 : memref<256x100xi32, #tpu.memory_space<vmem>>)
      tpu.yield
    }) : () -> ()
    "tpu.region"() ({
      %run_scoped3A = tpu.sem_alloc : memref<!tpu.dma_semaphore, #tpu.memory_space<semaphore_mem>>
      %dma_start3A_284 = arith.constant 100000 : i32
      %dma_start3A_285 = arith.constant 0 : i32
      %dma_start3A_286 = tpu.memref_slice %arg3[%dma_start3A_284, %dma_start3A_285] : memref<100001x64xf32, #tpu.memory_space<hbm>> -> memref<1x64xf32, #tpu.memory_space<hbm>>
      %dma_start3A_287 = arith.constant 100000 : i32
      %dma_start3A_288 = arith.constant 0 : i32
      %dma_start3A_289 = tpu.memref_slice %arg3[%dma_start3A_287, %dma_start3A_288] : memref<100001x64xf32, #tpu.memory_space<hbm>> -> memref<1x64xf32, #tpu.memory_space<hbm>>
      tpu.enqueue_dma source(%dma_start3A_289 : memref<1x64xf32, #tpu.memory_space<hbm>>) target(%arg12 : memref<1x64xf32, #tpu.memory_space<vmem>>) target_semaphore(%run_scoped3A : memref<!tpu.dma_semaphore, #tpu.memory_space<semaphore_mem>>)
      %dma_wait3A_290 = arith.constant 100000 : i32
      %dma_wait3A_291 = arith.constant 0 : i32
      %dma_wait3A_292 = tpu.memref_slice %arg3[%dma_wait3A_290, %dma_wait3A_291] : memref<100001x64xf32, #tpu.memory_space<hbm>> -> memref<1x64xf32, #tpu.memory_space<hbm>>
      %dma_wait3A_293 = arith.constant 100000 : i32
      %dma_wait3A_294 = arith.constant 0 : i32
      %dma_wait3A_295 = tpu.memref_slice %arg3[%dma_wait3A_293, %dma_wait3A_294] : memref<100001x64xf32, #tpu.memory_space<hbm>> -> memref<1x64xf32, #tpu.memory_space<hbm>>
      tpu.wait_dma2 semaphore(%run_scoped3A : memref<!tpu.dma_semaphore, #tpu.memory_space<semaphore_mem>>) src(%dma_wait3A_295 : memref<1x64xf32, #tpu.memory_space<hbm>>) dst(%arg12 : memref<1x64xf32, #tpu.memory_space<vmem>>)
      tpu.yield
    }) : () -> ()
    %get3A = arith.constant 0 : index
    %get3A_3 = tpu.vector_load %arg10[%get3A] {strides = array<i32>} : memref<64xf32, #tpu.memory_space<vmem>>, vector<16xf32>,
    %get3A_4 = vector.shape_cast %get3A_3 : vector<16xf32> to vector<16xf32>
    %get3A_5 = arith.constant 16 : index
    %get3A_6 = tpu.vector_load %arg10[%get3A_5] {strides = array<i32>} : memref<64xf32, #tpu.memory_space<vmem>>, vector<16xf32>,
    %get3A_7 = vector.shape_cast %get3A_6 : vector<16xf32> to vector<16xf32>
    %get3A_8 = arith.constant 32 : index
    %get3A_9 = tpu.vector_load %arg10[%get3A_8] {strides = array<i32>} : memref<64xf32, #tpu.memory_space<vmem>>, vector<16xf32>,
    %get3A_10 = vector.shape_cast %get3A_9 : vector<16xf32> to vector<16xf32>
    %get3A_11 = arith.constant 48 : index
    %get3A_12 = tpu.vector_load %arg10[%get3A_11] {strides = array<i32>} : memref<64xf32, #tpu.memory_space<vmem>>, vector<16xf32>,
    %get3A_13 = vector.shape_cast %get3A_12 : vector<16xf32> to vector<16xf32>
    %get3A_14 = arith.constant 0 : index
    %get3A_15 = tpu.vector_load %arg11[%get3A_14] {strides = array<i32>} : memref<64xf32, #tpu.memory_space<vmem>>, vector<16xf32>,
    %get3A_16 = vector.shape_cast %get3A_15 : vector<16xf32> to vector<16xf32>
    %get3A_17 = arith.constant 16 : index
    %get3A_18 = tpu.vector_load %arg11[%get3A_17] {strides = array<i32>} : memref<64xf32, #tpu.memory_space<vmem>>, vector<16xf32>,
    %get3A_19 = vector.shape_cast %get3A_18 : vector<16xf32> to vector<16xf32>
    %get3A_20 = arith.constant 32 : index
    %get3A_21 = tpu.vector_load %arg11[%get3A_20] {strides = array<i32>} : memref<64xf32, #tpu.memory_space<vmem>>, vector<16xf32>,
    %get3A_22 = vector.shape_cast %get3A_21 : vector<16xf32> to vector<16xf32>
    %get3A_23 = arith.constant 48 : index
    %get3A_24 = tpu.vector_load %arg11[%get3A_23] {strides = array<i32>} : memref<64xf32, #tpu.memory_space<vmem>>, vector<16xf32>,
    %get3A_25 = vector.shape_cast %get3A_24 : vector<16xf32> to vector<16xf32>
    %get3A_26 = arith.constant 0 : i32
    %get3A_27 = arith.index_cast %get3A_26 : i32 to index
    %get3A_28 = arith.constant 0 : index
    %get3A_29 = tpu.vector_load %arg12[%get3A_27, %get3A_28] {strides = array<i32>} : memref<1x64xf32, #tpu.memory_space<vmem>>, vector<1x16xf32>,
    %get3A_30 = vector.shape_cast %get3A_29 : vector<1x16xf32> to vector<16xf32>
    %get3A_31 = arith.constant 0 : i32
    %get3A_32 = arith.index_cast %get3A_31 : i32 to index
    %get3A_33 = arith.constant 16 : index
    %get3A_34 = tpu.vector_load %arg12[%get3A_32, %get3A_33] {strides = array<i32>} : memref<1x64xf32, #tpu.memory_space<vmem>>, vector<1x16xf32>,
    %get3A_35 = vector.shape_cast %get3A_34 : vector<1x16xf32> to vector<16xf32>
    %get3A_36 = arith.constant 0 : i32
    %get3A_37 = arith.index_cast %get3A_36 : i32 to index
    %get3A_38 = arith.constant 32 : index
    %get3A_39 = tpu.vector_load %arg12[%get3A_37, %get3A_38] {strides = array<i32>} : memref<1x64xf32, #tpu.memory_space<vmem>>, vector<1x16xf32>,
    %get3A_40 = vector.shape_cast %get3A_39 : vector<1x16xf32> to vector<16xf32>
    %get3A_41 = arith.constant 0 : i32
    %get3A_42 = arith.index_cast %get3A_41 : i32 to index
    %get3A_43 = arith.constant 48 : index
    %get3A_44 = tpu.vector_load %arg12[%get3A_42, %get3A_43] {strides = array<i32>} : memref<1x64xf32, #tpu.memory_space<vmem>>, vector<1x16xf32>,
    %get3A_45 = vector.shape_cast %get3A_44 : vector<1x16xf32> to vector<16xf32>
    %get3A_46 = arith.constant 0 : i32
    %get3A_47 = arith.index_cast %get3A_46 : i32 to index
    %get3A_48 = arith.constant 0 : index
    %get3A_49 = tpu.vector_load %arg9[%get3A_47, %get3A_48] {strides = array<i32>} : memref<201x64xf32, #tpu.memory_space<vmem>>, vector<1x16xf32>,
    %get3A_50 = vector.shape_cast %get3A_49 : vector<1x16xf32> to vector<16xf32>
    %get3A_51 = arith.constant 0 : i32
    %get3A_52 = arith.index_cast %get3A_51 : i32 to index
    %get3A_53 = arith.constant 16 : index
    %get3A_54 = tpu.vector_load %arg9[%get3A_52, %get3A_53] {strides = array<i32>} : memref<201x64xf32, #tpu.memory_space<vmem>>, vector<1x16xf32>,
    %get3A_55 = vector.shape_cast %get3A_54 : vector<1x16xf32> to vector<16xf32>
    %get3A_56 = arith.constant 0 : i32
    %get3A_57 = arith.index_cast %get3A_56 : i32 to index
    %get3A_58 = arith.constant 32 : index
    %get3A_59 = tpu.vector_load %arg9[%get3A_57, %get3A_58] {strides = array<i32>} : memref<201x64xf32, #tpu.memory_space<vmem>>, vector<1x16xf32>,
    %get3A_60 = vector.shape_cast %get3A_59 : vector<1x16xf32> to vector<16xf32>
    %get3A_61 = arith.constant 0 : i32
    %get3A_62 = arith.index_cast %get3A_61 : i32 to index
    %get3A_63 = arith.constant 48 : index
    %get3A_64 = tpu.vector_load %arg9[%get3A_62, %get3A_63] {strides = array<i32>} : memref<201x64xf32, #tpu.memory_space<vmem>>, vector<1x16xf32>,
    %get3A_65 = vector.shape_cast %get3A_64 : vector<1x16xf32> to vector<16xf32>
    %add3A_66 = arith.addf %get3A_30, %get3A_50 : vector<16xf32>
    %add3A_67 = arith.addf %get3A_35, %get3A_55 : vector<16xf32>
    %add3A_68 = arith.addf %get3A_40, %get3A_60 : vector<16xf32>
    %add3A_69 = arith.addf %get3A_45, %get3A_65 : vector<16xf32>
    %add3A_70 = arith.addf %add3A_66, %add3A_67 : vector<16xf32>
    %add3A_71 = arith.addf %add3A_68, %add3A_69 : vector<16xf32>
    %add3A_72 = arith.addf %add3A_70, %add3A_71 : vector<16xf32>
    %mul3A_73 = arith.mulf %add3A_66, %add3A_66 : vector<16xf32>
    %mul3A_74 = arith.mulf %add3A_67, %add3A_67 : vector<16xf32>
    %add3A_75 = arith.addf %mul3A_73, %mul3A_74 : vector<16xf32>
    %mul3A_76 = arith.mulf %add3A_68, %add3A_68 : vector<16xf32>
    %mul3A_77 = arith.mulf %add3A_69, %add3A_69 : vector<16xf32>
    %add3A_78 = arith.addf %mul3A_76, %mul3A_77 : vector<16xf32>
    %add3A_79 = arith.addf %add3A_75, %add3A_78 : vector<16xf32>
    %iota3A = tpu.iota {dimensions = array<i32: 0>} : vector<16xi32>
    %xor3A = arith.constant 8 : i32
    %xor3A_80 = vector.broadcast %xor3A : i32 to vector<16xi32>
    %xor3A_81 = arith.xori %iota3A, %xor3A_80 : vector<16xi32>
    %broadcast_in_dim3A = vector.shape_cast %xor3A_81 : vector<16xi32> to vector<16x1xi32>
    %gather3A = vector.shape_cast %broadcast_in_dim3A : vector<16x1xi32> to vector<16xi32>
    %gather3A_82 = tpu.dynamic_gather %add3A_72[%gather3A] in [0] : vector<16xf32>, vector<16xi32> -> vector<16xf32>
    %add3A_83 = arith.addf %add3A_72, %gather3A_82 : vector<16xf32>
    %xor3A_84 = arith.constant 4 : i32
    %xor3A_85 = vector.broadcast %xor3A_84 : i32 to vector<16xi32>
    %xor3A_86 = arith.xori %iota3A, %xor3A_85 : vector<16xi32>
    %broadcast_in_dim3A_87 = vector.shape_cast %xor3A_86 : vector<16xi32> to vector<16x1xi32>
    %gather3A_88 = vector.shape_cast %broadcast_in_dim3A_87 : vector<16x1xi32> to vector<16xi32>
    %gather3A_89 = tpu.dynamic_gather %add3A_83[%gather3A_88] in [0] : vector<16xf32>, vector<16xi32> -> vector<16xf32>
    %add3A_90 = arith.addf %add3A_83, %gather3A_89 : vector<16xf32>
    %xor3A_91 = arith.constant 2 : i32
    %xor3A_92 = vector.broadcast %xor3A_91 : i32 to vector<16xi32>
    %xor3A_93 = arith.xori %iota3A, %xor3A_92 : vector<16xi32>
    %broadcast_in_dim3A_94 = vector.shape_cast %xor3A_93 : vector<16xi32> to vector<16x1xi32>
    %gather3A_95 = vector.shape_cast %broadcast_in_dim3A_94 : vector<16x1xi32> to vector<16xi32>
    %gather3A_96 = tpu.dynamic_gather %add3A_90[%gather3A_95] in [0] : vector<16xf32>, vector<16xi32> -> vector<16xf32>
    %add3A_97 = arith.addf %add3A_90, %gather3A_96 : vector<16xf32>
    %xor3A_98 = arith.constant 1 : i32
    %xor3A_99 = vector.broadcast %xor3A_98 : i32 to vector<16xi32>
    %xor3A_100 = arith.xori %iota3A, %xor3A_99 : vector<16xi32>
    %broadcast_in_dim3A_101 = vector.shape_cast %xor3A_100 : vector<16xi32> to vector<16x1xi32>
    %gather3A_102 = vector.shape_cast %broadcast_in_dim3A_101 : vector<16x1xi32> to vector<16xi32>
    %gather3A_103 = tpu.dynamic_gather %add3A_97[%gather3A_102] in [0] : vector<16xf32>, vector<16xi32> -> vector<16xf32>
    %add3A_104 = arith.addf %add3A_97, %gather3A_103 : vector<16xf32>
    %mul3A_105 = arith.constant 1.562500e-02 : f32
    %mul3A_106 = vector.broadcast %mul3A_105 : f32 to vector<16xf32>
    %mul3A_107 = arith.mulf %add3A_104, %mul3A_106 : vector<16xf32>
    %iota3A_108 = tpu.iota {dimensions = array<i32: 0>} : vector<16xi32>
    %xor3A_109 = arith.constant 8 : i32
    %xor3A_110 = vector.broadcast %xor3A_109 : i32 to vector<16xi32>
    %xor3A_111 = arith.xori %iota3A_108, %xor3A_110 : vector<16xi32>
    %broadcast_in_dim3A_112 = vector.shape_cast %xor3A_111 : vector<16xi32> to vector<16x1xi32>
    %gather3A_113 = vector.shape_cast %broadcast_in_dim3A_112 : vector<16x1xi32> to vector<16xi32>
    %gather3A_114 = tpu.dynamic_gather %add3A_79[%gather3A_113] in [0] : vector<16xf32>, vector<16xi32> -> vector<16xf32>
    %add3A_115 = arith.addf %add3A_79, %gather3A_114 : vector<16xf32>
    %xor3A_116 = arith.constant 4 : i32
    %xor3A_117 = vector.broadcast %xor3A_116 : i32 to vector<16xi32>
    %xor3A_118 = arith.xori %iota3A_108, %xor3A_117 : vector<16xi32>
    %broadcast_in_dim3A_119 = vector.shape_cast %xor3A_118 : vector<16xi32> to vector<16x1xi32>
    %gather3A_120 = vector.shape_cast %broadcast_in_dim3A_119 : vector<16x1xi32> to vector<16xi32>
    %gather3A_121 = tpu.dynamic_gather %add3A_115[%gather3A_120] in [0] : vector<16xf32>, vector<16xi32> -> vector<16xf32>
    %add3A_122 = arith.addf %add3A_115, %gather3A_121 : vector<16xf32>
    %xor3A_123 = arith.constant 2 : i32
    %xor3A_124 = vector.broadcast %xor3A_123 : i32 to vector<16xi32>
    %xor3A_125 = arith.xori %iota3A_108, %xor3A_124 : vector<16xi32>
    %broadcast_in_dim3A_126 = vector.shape_cast %xor3A_125 : vector<16xi32> to vector<16x1xi32>
    %gather3A_127 = vector.shape_cast %broadcast_in_dim3A_126 : vector<16x1xi32> to vector<16xi32>
    %gather3A_128 = tpu.dynamic_gather %add3A_122[%gather3A_127] in [0] : vector<16xf32>, vector<16xi32> -> vector<16xf32>
    %add3A_129 = arith.addf %add3A_122, %gather3A_128 : vector<16xf32>
    %xor3A_130 = arith.constant 1 : i32
    %xor3A_131 = vector.broadcast %xor3A_130 : i32 to vector<16xi32>
    %xor3A_132 = arith.xori %iota3A_108, %xor3A_131 : vector<16xi32>
    %broadcast_in_dim3A_133 = vector.shape_cast %xor3A_132 : vector<16xi32> to vector<16x1xi32>
    %gather3A_134 = vector.shape_cast %broadcast_in_dim3A_133 : vector<16x1xi32> to vector<16xi32>
    %gather3A_135 = tpu.dynamic_gather %add3A_129[%gather3A_134] in [0] : vector<16xf32>, vector<16xi32> -> vector<16xf32>
    %add3A_136 = arith.addf %add3A_129, %gather3A_135 : vector<16xf32>
    %mul3A_137 = arith.constant 1.562500e-02 : f32
    %mul3A_138 = vector.broadcast %mul3A_137 : f32 to vector<16xf32>
    %mul3A_139 = arith.mulf %add3A_136, %mul3A_138 : vector<16xf32>
    %mul3A_140 = arith.mulf %mul3A_107, %mul3A_107 : vector<16xf32>
    %sub3A = arith.subf %mul3A_139, %mul3A_140 : vector<16xf32>
    %max3A = arith.constant 0.000000e+00 : f32
    %max3A_141 = vector.broadcast %max3A : f32 to vector<16xf32>
    %max3A_142 = arith.maximumf %sub3A, %max3A_141 : vector<16xf32>
    %add3A_143 = arith.constant 9.99999996E-13 : f32
    %add3A_144 = vector.broadcast %add3A_143 : f32 to vector<16xf32>
    %add3A_145 = arith.addf %max3A_142, %add3A_144 : vector<16xf32>
    %bitcast_convert_type3A = tpu.bitcast %add3A_145 : vector<16xf32> -> vector<16xi32>
    %shift_right_arithmetic3A = arith.constant 1 : i32
    %shift_right_arithmetic3A_146 = vector.broadcast %shift_right_arithmetic3A : i32 to vector<16xi32>
    %shift_right_arithmetic3A_147 = arith.shrsi %bitcast_convert_type3A, %shift_right_arithmetic3A_146 : vector<16xi32>
    %sub3A_148 = arith.constant 1597463007 : i32
    %sub3A_149 = vector.broadcast %sub3A_148 : i32 to vector<16xi32>
    %sub3A_150 = arith.subi %sub3A_149, %shift_right_arithmetic3A_147 : vector<16xi32>
    %bitcast_convert_type3A_151 = tpu.bitcast %sub3A_150 : vector<16xi32> -> vector<16xf32>
    %mul3A_152 = arith.constant 5.000000e-01 : f32
    %mul3A_153 = vector.broadcast %mul3A_152 : f32 to vector<16xf32>
    %mul3A_154 = arith.mulf %add3A_145, %mul3A_153 : vector<16xf32>
    %mul3A_155 = arith.mulf %mul3A_154, %bitcast_convert_type3A_151 : vector<16xf32>
    %mul3A_156 = arith.mulf %mul3A_155, %bitcast_convert_type3A_151 : vector<16xf32>
    %sub3A_157 = arith.constant 1.500000e+00 : f32
    %sub3A_158 = vector.broadcast %sub3A_157 : f32 to vector<16xf32>
    %sub3A_159 = arith.subf %sub3A_158, %mul3A_156 : vector<16xf32>
    %mul3A_160 = arith.mulf %bitcast_convert_type3A_151, %sub3A_159 : vector<16xf32>
    %sub3A_161 = arith.subf %add3A_66, %mul3A_107 : vector<16xf32>
    %mul3A_162 = arith.mulf %mul3A_160, %get3A_4 : vector<16xf32>
    %mul3A_163 = arith.mulf %sub3A_161, %mul3A_162 : vector<16xf32>
    %add3A_164 = arith.addf %mul3A_163, %get3A_16 : vector<16xf32>
    %sub3A_165 = arith.subf %add3A_67, %mul3A_107 : vector<16xf32>
    %mul3A_166 = arith.mulf %mul3A_160, %get3A_7 : vector<16xf32>
    %mul3A_167 = arith.mulf %sub3A_165, %mul3A_166 : vector<16xf32>
    %add3A_168 = arith.addf %mul3A_167, %get3A_19 : vector<16xf32>
    %sub3A_169 = arith.subf %add3A_68, %mul3A_107 : vector<16xf32>
    %mul3A_170 = arith.mulf %mul3A_160, %get3A_10 : vector<16xf32>
    %mul3A_171 = arith.mulf %sub3A_169, %mul3A_170 : vector<16xf32>
    %add3A_172 = arith.addf %mul3A_171, %get3A_22 : vector<16xf32>
    %sub3A_173 = arith.subf %add3A_69, %mul3A_107 : vector<16xf32>
    %mul3A_174 = arith.mulf %mul3A_160, %get3A_13 : vector<16xf32>
    %mul3A_175 = arith.mulf %sub3A_173, %mul3A_174 : vector<16xf32>
    %add3A_176 = arith.addf %mul3A_175, %get3A_25 : vector<16xf32>
    %swap3A = arith.constant 0 : i32
    %swap3A_177 = arith.index_cast %swap3A : i32 to index
    %swap3A_178 = arith.constant 0 : index
    %swap3A_179 = tpu.vector_load %arg15[%swap3A_177, %swap3A_178] {strides = array<i32>} : memref<201x64xf32, #tpu.memory_space<vmem>>, vector<1x16xf32>,
    %swap3A_180 = vector.shape_cast %swap3A_179 : vector<1x16xf32> to vector<16xf32>
    %swap3A_181 = vector.shape_cast %add3A_164 : vector<16xf32> to vector<1x16xf32>
    tpu.vector_store %arg15[%swap3A_177, %swap3A_178], %swap3A_181 {strides = array<i32>} : memref<201x64xf32, #tpu.memory_space<vmem>>, vector<1x16xf32>,
    %swap3A_182 = arith.constant 0 : i32
    %swap3A_183 = arith.index_cast %swap3A_182 : i32 to index
    %swap3A_184 = arith.constant 0 : index
    %swap3A_185 = tpu.vector_load %arg16[%swap3A_183, %swap3A_184] {strides = array<i32>} : memref<201x64xf32, #tpu.memory_space<vmem>>, vector<1x16xf32>,
    %swap3A_186 = vector.shape_cast %swap3A_185 : vector<1x16xf32> to vector<16xf32>
    %swap3A_187 = vector.shape_cast %add3A_164 : vector<16xf32> to vector<1x16xf32>
    tpu.vector_store %arg16[%swap3A_183, %swap3A_184], %swap3A_187 {strides = array<i32>} : memref<201x64xf32, #tpu.memory_space<vmem>>, vector<1x16xf32>,
    %swap3A_188 = arith.constant 0 : i32
    %swap3A_189 = arith.index_cast %swap3A_188 : i32 to index
    %swap3A_190 = arith.constant 16 : index
    %swap3A_191 = tpu.vector_load %arg15[%swap3A_189, %swap3A_190] {strides = array<i32>} : memref<201x64xf32, #tpu.memory_space<vmem>>, vector<1x16xf32>,
    %swap3A_192 = vector.shape_cast %swap3A_191 : vector<1x16xf32> to vector<16xf32>
    %swap3A_193 = vector.shape_cast %add3A_168 : vector<16xf32> to vector<1x16xf32>
    tpu.vector_store %arg15[%swap3A_189, %swap3A_190], %swap3A_193 {strides = array<i32>} : memref<201x64xf32, #tpu.memory_space<vmem>>, vector<1x16xf32>,
    %swap3A_194 = arith.constant 0 : i32
    %swap3A_195 = arith.index_cast %swap3A_194 : i32 to index
    %swap3A_196 = arith.constant 16 : index
    %swap3A_197 = tpu.vector_load %arg16[%swap3A_195, %swap3A_196] {strides = array<i32>} : memref<201x64xf32, #tpu.memory_space<vmem>>, vector<1x16xf32>,
    %swap3A_198 = vector.shape_cast %swap3A_197 : vector<1x16xf32> to vector<16xf32>
    %swap3A_199 = vector.shape_cast %add3A_168 : vector<16xf32> to vector<1x16xf32>
    tpu.vector_store %arg16[%swap3A_195, %swap3A_196], %swap3A_199 {strides = array<i32>} : memref<201x64xf32, #tpu.memory_space<vmem>>, vector<1x16xf32>,
    %swap3A_200 = arith.constant 0 : i32
    %swap3A_201 = arith.index_cast %swap3A_200 : i32 to index
    %swap3A_202 = arith.constant 32 : index
    %swap3A_203 = tpu.vector_load %arg15[%swap3A_201, %swap3A_202] {strides = array<i32>} : memref<201x64xf32, #tpu.memory_space<vmem>>, vector<1x16xf32>,
    %swap3A_204 = vector.shape_cast %swap3A_203 : vector<1x16xf32> to vector<16xf32>
    %swap3A_205 = vector.shape_cast %add3A_172 : vector<16xf32> to vector<1x16xf32>
    tpu.vector_store %arg15[%swap3A_201, %swap3A_202], %swap3A_205 {strides = array<i32>} : memref<201x64xf32, #tpu.memory_space<vmem>>, vector<1x16xf32>,
    %swap3A_206 = arith.constant 0 : i32
    %swap3A_207 = arith.index_cast %swap3A_206 : i32 to index
    %swap3A_208 = arith.constant 32 : index
    %swap3A_209 = tpu.vector_load %arg16[%swap3A_207, %swap3A_208] {strides = array<i32>} : memref<201x64xf32, #tpu.memory_space<vmem>>, vector<1x16xf32>,
    %swap3A_210 = vector.shape_cast %swap3A_209 : vector<1x16xf32> to vector<16xf32>
    %swap3A_211 = vector.shape_cast %add3A_172 : vector<16xf32> to vector<1x16xf32>
    tpu.vector_store %arg16[%swap3A_207, %swap3A_208], %swap3A_211 {strides = array<i32>} : memref<201x64xf32, #tpu.memory_space<vmem>>, vector<1x16xf32>,
    %swap3A_212 = arith.constant 0 : i32
    %swap3A_213 = arith.index_cast %swap3A_212 : i32 to index
    %swap3A_214 = arith.constant 48 : index
    %swap3A_215 = tpu.vector_load %arg15[%swap3A_213, %swap3A_214] {strides = array<i32>} : memref<201x64xf32, #tpu.memory_space<vmem>>, vector<1x16xf32>,
    %swap3A_216 = vector.shape_cast %swap3A_215 : vector<1x16xf32> to vector<16xf32>
    %swap3A_217 = vector.shape_cast %add3A_176 : vector<16xf32> to vector<1x16xf32>
    tpu.vector_store %arg15[%swap3A_213, %swap3A_214], %swap3A_217 {strides = array<i32>} : memref<201x64xf32, #tpu.memory_space<vmem>>, vector<1x16xf32>,
    %swap3A_218 = arith.constant 0 : i32
    %swap3A_219 = arith.index_cast %swap3A_218 : i32 to index
    %swap3A_220 = arith.constant 48 : index
    %swap3A_221 = tpu.vector_load %arg16[%swap3A_219, %swap3A_220] {strides = array<i32>} : memref<201x64xf32, #tpu.memory_space<vmem>>, vector<1x16xf32>,
    %swap3A_222 = vector.shape_cast %swap3A_221 : vector<1x16xf32> to vector<16xf32>
    %swap3A_223 = vector.shape_cast %add3A_176 : vector<16xf32> to vector<1x16xf32>
    tpu.vector_store %arg16[%swap3A_219, %swap3A_220], %swap3A_223 {strides = array<i32>} : memref<201x64xf32, #tpu.memory_space<vmem>>, vector<1x16xf32>,
    %dma_start3A = arith.constant 0 : i32
    %dma_start3A_224 = arith.constant 0 : i32
    %dma_start3A_225 = arith.constant 0 : i32
    %dma_start3A_226 = tpu.memref_slice %arg13[%dma_start3A_224, %dma_start3A_225] : memref<200x64xf32, #tpu.memory_space<vmem>> -> memref<100x64xf32, #tpu.memory_space<vmem>>
    %dma_start3A_227 = arith.constant 0 : i32
    %dma_start3A_228 = tpu.memref_slice %arg8[%dma_start3A, %dma_start3A_227] : memref<256x100xi32, #tpu.memory_space<vmem>> -> memref<1x100xi32, #tpu.memory_space<vmem>>
    %dma_start3A_229 = tpu.memref_squeeze %dma_start3A_228 : memref<1x100xi32, #tpu.memory_space<vmem>> -> memref<100xi32, #tpu.memory_space<vmem>>
    %dma_start3A_230 = arith.constant 0 : i32
    %dma_start3A_231 = arith.constant 0 : i32
    %dma_start3A_232 = tpu.memref_slice %arg3[%dma_start3A_230, %dma_start3A_231] : memref<100001x64xf32, #tpu.memory_space<hbm>> -> memref<100001x64xf32, #tpu.memory_space<hbm>>
    tpu.enqueue_indirect_dma source(%dma_start3A_232 : memref<100001x64xf32, #tpu.memory_space<hbm>>) target(%dma_start3A_226 : memref<100x64xf32, #tpu.memory_space<vmem>>) offsets(%dma_start3A_229 : memref<100xi32, #tpu.memory_space<vmem>>) semaphore(%arg17 : memref<!tpu.dma_semaphore, #tpu.memory_space<semaphore_mem>>)
    %dma_start3A_233 = arith.constant 1 : i32
    %dma_start3A_234 = arith.constant 100 : i32
    %dma_start3A_235 = arith.constant 0 : i32
    %dma_start3A_236 = tpu.memref_slice %arg13[%dma_start3A_234, %dma_start3A_235] : memref<200x64xf32, #tpu.memory_space<vmem>> -> memref<100x64xf32, #tpu.memory_space<vmem>>
    %dma_start3A_237 = arith.constant 0 : i32
    %dma_start3A_238 = tpu.memref_slice %arg8[%dma_start3A_233, %dma_start3A_237] : memref<256x100xi32, #tpu.memory_space<vmem>> -> memref<1x100xi32, #tpu.memory_space<vmem>>
    %dma_start3A_239 = tpu.memref_squeeze %dma_start3A_238 : memref<1x100xi32, #tpu.memory_space<vmem>> -> memref<100xi32, #tpu.memory_space<vmem>>
    %dma_start3A_240 = arith.constant 0 : i32
    %dma_start3A_241 = arith.constant 0 : i32
    %dma_start3A_242 = tpu.memref_slice %arg3[%dma_start3A_240, %dma_start3A_241] : memref<100001x64xf32, #tpu.memory_space<hbm>> -> memref<100001x64xf32, #tpu.memory_space<hbm>>
    tpu.enqueue_indirect_dma source(%dma_start3A_242 : memref<100001x64xf32, #tpu.memory_space<hbm>>) target(%dma_start3A_236 : memref<100x64xf32, #tpu.memory_space<vmem>>) offsets(%dma_start3A_239 : memref<100xi32, #tpu.memory_space<vmem>>) semaphore(%arg17 : memref<!tpu.dma_semaphore, #tpu.memory_space<semaphore_mem>>)
    %dma_start3A_243 = arith.constant 2 : i32
    %dma_start3A_244 = arith.constant 0 : i32
    %dma_start3A_245 = arith.constant 0 : i32
    %dma_start3A_246 = tpu.memref_slice %arg14[%dma_start3A_244, %dma_start3A_245] : memref<200x64xf32, #tpu.memory_space<vmem>> -> memref<100x64xf32, #tpu.memory_space<vmem>>
    %dma_start3A_247 = arith.constant 0 : i32
    %dma_start3A_248 = tpu.memref_slice %arg8[%dma_start3A_243, %dma_start3A_247] : memref<256x100xi32, #tpu.memory_space<vmem>> -> memref<1x100xi32, #tpu.memory_space<vmem>>
    %dma_start3A_249 = tpu.memref_squeeze %dma_start3A_248 : memref<1x100xi32, #tpu.memory_space<vmem>> -> memref<100xi32, #tpu.memory_space<vmem>>
    %dma_start3A_250 = arith.constant 0 : i32
    %dma_start3A_251 = arith.constant 0 : i32
    %dma_start3A_252 = tpu.memref_slice %arg3[%dma_start3A_250, %dma_start3A_251] : memref<100001x64xf32, #tpu.memory_space<hbm>> -> memref<100001x64xf32, #tpu.memory_space<hbm>>
    tpu.enqueue_indirect_dma source(%dma_start3A_252 : memref<100001x64xf32, #tpu.memory_space<hbm>>) target(%dma_start3A_246 : memref<100x64xf32, #tpu.memory_space<vmem>>) offsets(%dma_start3A_249 : memref<100xi32, #tpu.memory_space<vmem>>) semaphore(%arg18 : memref<!tpu.dma_semaphore, #tpu.memory_space<semaphore_mem>>)
    %dma_start3A_253 = arith.constant 3 : i32
    %dma_start3A_254 = arith.constant 100 : i32
    %dma_start3A_255 = arith.constant 0 : i32
    %dma_start3A_256 = tpu.memref_slice %arg14[%dma_start3A_254, %dma_start3A_255] : memref<200x64xf32, #tpu.memory_space<vmem>> -> memref<100x64xf32, #tpu.memory_space<vmem>>
    %dma_start3A_257 = arith.constant 0 : i32
    %dma_start3A_258 = tpu.memref_slice %arg8[%dma_start3A_253, %dma_start3A_257] : memref<256x100xi32, #tpu.memory_space<vmem>> -> memref<1x100xi32, #tpu.memory_space<vmem>>
    %dma_start3A_259 = tpu.memref_squeeze %dma_start3A_258 : memref<1x100xi32, #tpu.memory_space<vmem>> -> memref<100xi32, #tpu.memory_space<vmem>>
    %dma_start3A_260 = arith.constant 0 : i32
    %dma_start3A_261 = arith.constant 0 : i32
    %dma_start3A_262 = tpu.memref_slice %arg3[%dma_start3A_260, %dma_start3A_261] : memref<100001x64xf32, #tpu.memory_space<hbm>> -> memref<100001x64xf32, #tpu.memory_space<hbm>>
    tpu.enqueue_indirect_dma source(%dma_start3A_262 : memref<100001x64xf32, #tpu.memory_space<hbm>>) target(%dma_start3A_256 : memref<100x64xf32, #tpu.memory_space<vmem>>) offsets(%dma_start3A_259 : memref<100xi32, #tpu.memory_space<vmem>>) semaphore(%arg18 : memref<!tpu.dma_semaphore, #tpu.memory_space<semaphore_mem>>)
    %scan3A = arith.constant 0 : i32
    %scan3A_263 = arith.constant 64 : i32
    %scan3A_264 = arith.addi %scan3A, %scan3A_263 : i32
    %scan3A_265 = arith.constant 1 : i32
    scf.for %scan3A_284 = %scan3A to %scan3A_264 step %scan3A_265  : i32 {
      %mul3A_285 = arith.constant 1 : i32
      %mul3A_286 = arith.muli %scan3A_284, %mul3A_285 : i32
      %add3A_287 = arith.constant 0 : i32
      %add3A_288 = arith.addi %add3A_287, %mul3A_286 : i32
      %mul3A_289 = arith.constant 2 : i32
      %mul3A_290 = arith.muli %mul3A_289, %add3A_288 : i32
      %add3A_291 = arith.constant 0 : i32
      %add3A_292 = arith.addi %mul3A_290, %add3A_291 : i32
      %dma_wait3A_293 = arith.constant 0 : i32
      %dma_wait3A_294 = arith.constant 0 : i32
      %dma_wait3A_295 = tpu.memref_slice %arg3[%dma_wait3A_293, %dma_wait3A_294] : memref<100001x64xf32, #tpu.memory_space<hbm>> -> memref<200x64xf32, #tpu.memory_space<hbm>>
      %dma_wait3A_296 = arith.constant 0 : i32
      %dma_wait3A_297 = arith.constant 0 : i32
      %dma_wait3A_298 = tpu.memref_slice %arg3[%dma_wait3A_296, %dma_wait3A_297] : memref<100001x64xf32, #tpu.memory_space<hbm>> -> memref<200x64xf32, #tpu.memory_space<hbm>>
      tpu.wait_dma2 semaphore(%arg17 : memref<!tpu.dma_semaphore, #tpu.memory_space<semaphore_mem>>) src(%dma_wait3A_298 : memref<200x64xf32, #tpu.memory_space<hbm>>) dst(%arg13 : memref<200x64xf32, #tpu.memory_space<vmem>>)
      %gt3A = arith.constant 0 : i32
      %gt3A_299 = arith.cmpi sgt, %add3A_288, %gt3A : i32
      %convert_element_type3A = arith.extui %gt3A_299 : i1 to i32
      %cond3A = arith.constant 0 : i32
      %cond3A_300 = arith.cmpi ne, %convert_element_type3A, %cond3A : i32
      scf.if %cond3A_300 {
        %dma_wait3A_357 = arith.constant 0 : i32
        %dma_wait3A_358 = arith.constant 0 : i32
        %dma_wait3A_359 = arith.constant 0 : i32
        %dma_wait3A_360 = tpu.memref_slice %arg7[%dma_wait3A_357, %dma_wait3A_358, %dma_wait3A_359] : memref<4096x208x128xf32, #tpu.memory_space<hbm>> -> memref<1x201x64xf32, #tpu.memory_space<hbm>>
        %dma_wait3A_361 = tpu.memref_squeeze %dma_wait3A_360 : memref<1x201x64xf32, #tpu.memory_space<hbm>> -> memref<201x64xf32, #tpu.memory_space<hbm>>
        %dma_wait3A_362 = arith.constant 0 : i32
        %dma_wait3A_363 = arith.constant 0 : i32
        %dma_wait3A_364 = tpu.memref_slice %arg7[%dma_wait3A_357, %dma_wait3A_362, %dma_wait3A_363] : memref<4096x208x128xf32, #tpu.memory_space<hbm>> -> memref<1x201x64xf32, #tpu.memory_space<hbm>>
        %dma_wait3A_365 = tpu.memref_squeeze %dma_wait3A_364 : memref<1x201x64xf32, #tpu.memory_space<hbm>> -> memref<201x64xf32, #tpu.memory_space<hbm>>
        tpu.wait_dma2 semaphore(%arg19 : memref<!tpu.dma_semaphore, #tpu.memory_space<semaphore_mem>>) src(%arg15 : memref<201x64xf32, #tpu.memory_space<vmem>>) dst(%dma_wait3A_365 : memref<201x64xf32, #tpu.memory_space<hbm>>)
      } else {
      }
      %scan3A_301 = arith.constant 0 : i32
      %scan3A_302 = arith.constant 200 : i32
      %scan3A_303 = arith.addi %scan3A_301, %scan3A_302 : i32
      %scan3A_304 = arith.constant 1 : i32
      scf.for %scan3A_357 = %scan3A_301 to %scan3A_303 step %scan3A_304  : i32 {
        %mul3A_358 = arith.constant 1 : i32
        %mul3A_359 = arith.muli %scan3A_357, %mul3A_358 : i32
        %add3A_360 = arith.constant 0 : i32
        %add3A_361 = arith.addi %add3A_360, %mul3A_359 : i32
        %get3A_362 = arith.index_cast %add3A_361 : i32 to index
        %get3A_363 = arith.constant 0 : index
        %get3A_364 = tpu.vector_load %arg13[%get3A_362, %get3A_363] {strides = array<i32>} : memref<200x64xf32, #tpu.memory_space<vmem>>, vector<1x16xf32>,
        %get3A_365 = vector.shape_cast %get3A_364 : vector<1x16xf32> to vector<16xf32>
        %get3A_366 = arith.index_cast %add3A_361 : i32 to index
        %get3A_367 = arith.constant 16 : index
        %get3A_368 = tpu.vector_load %arg13[%get3A_366, %get3A_367] {strides = array<i32>} : memref<200x64xf32, #tpu.memory_space<vmem>>, vector<1x16xf32>,
        %get3A_369 = vector.shape_cast %get3A_368 : vector<1x16xf32> to vector<16xf32>
        %get3A_370 = arith.index_cast %add3A_361 : i32 to index
        %get3A_371 = arith.constant 32 : index
        %get3A_372 = tpu.vector_load %arg13[%get3A_370, %get3A_371] {strides = array<i32>} : memref<200x64xf32, #tpu.memory_space<vmem>>, vector<1x16xf32>,
        %get3A_373 = vector.shape_cast %get3A_372 : vector<1x16xf32> to vector<16xf32>
        %get3A_374 = arith.index_cast %add3A_361 : i32 to index
        %get3A_375 = arith.constant 48 : index
        %get3A_376 = tpu.vector_load %arg13[%get3A_374, %get3A_375] {strides = array<i32>} : memref<200x64xf32, #tpu.memory_space<vmem>>, vector<1x16xf32>,
        %get3A_377 = vector.shape_cast %get3A_376 : vector<1x16xf32> to vector<16xf32>
        %add3A_378 = arith.constant 1 : i32
        %add3A_379 = arith.addi %add3A_361, %add3A_378 : i32
        %get3A_380 = arith.index_cast %add3A_379 : i32 to index
        %get3A_381 = arith.constant 0 : index
        %get3A_382 = tpu.vector_load %arg9[%get3A_380, %get3A_381] {strides = array<i32>} : memref<201x64xf32, #tpu.memory_space<vmem>>, vector<1x16xf32>,
        %get3A_383 = vector.shape_cast %get3A_382 : vector<1x16xf32> to vector<16xf32>
        %add3A_384 = arith.constant 1 : i32
        %add3A_385 = arith.addi %add3A_361, %add3A_384 : i32
        %get3A_386 = arith.index_cast %add3A_385 : i32 to index
        %get3A_387 = arith.constant 16 : index
        %get3A_388 = tpu.vector_load %arg9[%get3A_386, %get3A_387] {strides = array<i32>} : memref<201x64xf32, #tpu.memory_space<vmem>>, vector<1x16xf32>,
        %get3A_389 = vector.shape_cast %get3A_388 : vector<1x16xf32> to vector<16xf32>
        %add3A_390 = arith.constant 1 : i32
        %add3A_391 = arith.addi %add3A_361, %add3A_390 : i32
        %get3A_392 = arith.index_cast %add3A_391 : i32 to index
        %get3A_393 = arith.constant 32 : index
        %get3A_394 = tpu.vector_load %arg9[%get3A_392, %get3A_393] {strides = array<i32>} : memref<201x64xf32, #tpu.memory_space<vmem>>, vector<1x16xf32>,
        %get3A_395 = vector.shape_cast %get3A_394 : vector<1x16xf32> to vector<16xf32>
        %add3A_396 = arith.constant 1 : i32
        %add3A_397 = arith.addi %add3A_361, %add3A_396 : i32
        %get3A_398 = arith.index_cast %add3A_397 : i32 to index
        %get3A_399 = arith.constant 48 : index
        %get3A_400 = tpu.vector_load %arg9[%get3A_398, %get3A_399] {strides = array<i32>} : memref<201x64xf32, #tpu.memory_space<vmem>>, vector<1x16xf32>,
        %get3A_401 = vector.shape_cast %get3A_400 : vector<1x16xf32> to vector<16xf32>
        %add3A_402 = arith.addf %get3A_365, %get3A_383 : vector<16xf32>
        %add3A_403 = arith.addf %get3A_369, %get3A_389 : vector<16xf32>
        %add3A_404 = arith.addf %get3A_373, %get3A_395 : vector<16xf32>
        %add3A_405 = arith.addf %get3A_377, %get3A_401 : vector<16xf32>
        %add3A_406 = arith.addf %add3A_402, %add3A_403 : vector<16xf32>
        %add3A_407 = arith.addf %add3A_404, %add3A_405 : vector<16xf32>
        %add3A_408 = arith.addf %add3A_406, %add3A_407 : vector<16xf32>
        %mul3A_409 = arith.mulf %add3A_402, %add3A_402 : vector<16xf32>
        %mul3A_410 = arith.mulf %add3A_403, %add3A_403 : vector<16xf32>
        %add3A_411 = arith.addf %mul3A_409, %mul3A_410 : vector<16xf32>
        %mul3A_412 = arith.mulf %add3A_404, %add3A_404 : vector<16xf32>
        %mul3A_413 = arith.mulf %add3A_405, %add3A_405 : vector<16xf32>
        %add3A_414 = arith.addf %mul3A_412, %mul3A_413 : vector<16xf32>
        %add3A_415 = arith.addf %add3A_411, %add3A_414 : vector<16xf32>
        %iota3A_416 = tpu.iota {dimensions = array<i32: 0>} : vector<16xi32>
        %xor3A_417 = arith.constant 8 : i32
        %xor3A_418 = vector.broadcast %xor3A_417 : i32 to vector<16xi32>
        %xor3A_419 = arith.xori %iota3A_416, %xor3A_418 : vector<16xi32>
        %broadcast_in_dim3A_420 = vector.shape_cast %xor3A_419 : vector<16xi32> to vector<16x1xi32>
        %gather3A_421 = vector.shape_cast %broadcast_in_dim3A_420 : vector<16x1xi32> to vector<16xi32>
        %gather3A_422 = tpu.dynamic_gather %add3A_408[%gather3A_421] in [0] : vector<16xf32>, vector<16xi32> -> vector<16xf32>
        %add3A_423 = arith.addf %add3A_408, %gather3A_422 : vector<16xf32>
        %xor3A_424 = arith.constant 4 : i32
        %xor3A_425 = vector.broadcast %xor3A_424 : i32 to vector<16xi32>
        %xor3A_426 = arith.xori %iota3A_416, %xor3A_425 : vector<16xi32>
        %broadcast_in_dim3A_427 = vector.shape_cast %xor3A_426 : vector<16xi32> to vector<16x1xi32>
        %gather3A_428 = vector.shape_cast %broadcast_in_dim3A_427 : vector<16x1xi32> to vector<16xi32>
        %gather3A_429 = tpu.dynamic_gather %add3A_423[%gather3A_428] in [0] : vector<16xf32>, vector<16xi32> -> vector<16xf32>
        %add3A_430 = arith.addf %add3A_423, %gather3A_429 : vector<16xf32>
        %xor3A_431 = arith.constant 2 : i32
        %xor3A_432 = vector.broadcast %xor3A_431 : i32 to vector<16xi32>
        %xor3A_433 = arith.xori %iota3A_416, %xor3A_432 : vector<16xi32>
        %broadcast_in_dim3A_434 = vector.shape_cast %xor3A_433 : vector<16xi32> to vector<16x1xi32>
        %gather3A_435 = vector.shape_cast %broadcast_in_dim3A_434 : vector<16x1xi32> to vector<16xi32>
        %gather3A_436 = tpu.dynamic_gather %add3A_430[%gather3A_435] in [0] : vector<16xf32>, vector<16xi32> -> vector<16xf32>
        %add3A_437 = arith.addf %add3A_430, %gather3A_436 : vector<16xf32>
        %xor3A_438 = arith.constant 1 : i32
        %xor3A_439 = vector.broadcast %xor3A_438 : i32 to vector<16xi32>
        %xor3A_440 = arith.xori %iota3A_416, %xor3A_439 : vector<16xi32>
        %broadcast_in_dim3A_441 = vector.shape_cast %xor3A_440 : vector<16xi32> to vector<16x1xi32>
        %gather3A_442 = vector.shape_cast %broadcast_in_dim3A_441 : vector<16x1xi32> to vector<16xi32>
        %gather3A_443 = tpu.dynamic_gather %add3A_437[%gather3A_442] in [0] : vector<16xf32>, vector<16xi32> -> vector<16xf32>
        %add3A_444 = arith.addf %add3A_437, %gather3A_443 : vector<16xf32>
        %mul3A_445 = arith.constant 1.562500e-02 : f32
        %mul3A_446 = vector.broadcast %mul3A_445 : f32 to vector<16xf32>
        %mul3A_447 = arith.mulf %add3A_444, %mul3A_446 : vector<16xf32>
        %iota3A_448 = tpu.iota {dimensions = array<i32: 0>} : vector<16xi32>
        %xor3A_449 = arith.constant 8 : i32
        %xor3A_450 = vector.broadcast %xor3A_449 : i32 to vector<16xi32>
        %xor3A_451 = arith.xori %iota3A_448, %xor3A_450 : vector<16xi32>
        %broadcast_in_dim3A_452 = vector.shape_cast %xor3A_451 : vector<16xi32> to vector<16x1xi32>
        %gather3A_453 = vector.shape_cast %broadcast_in_dim3A_452 : vector<16x1xi32> to vector<16xi32>
        %gather3A_454 = tpu.dynamic_gather %add3A_415[%gather3A_453] in [0] : vector<16xf32>, vector<16xi32> -> vector<16xf32>
        %add3A_455 = arith.addf %add3A_415, %gather3A_454 : vector<16xf32>
        %xor3A_456 = arith.constant 4 : i32
        %xor3A_457 = vector.broadcast %xor3A_456 : i32 to vector<16xi32>
        %xor3A_458 = arith.xori %iota3A_448, %xor3A_457 : vector<16xi32>
        %broadcast_in_dim3A_459 = vector.shape_cast %xor3A_458 : vector<16xi32> to vector<16x1xi32>
        %gather3A_460 = vector.shape_cast %broadcast_in_dim3A_459 : vector<16x1xi32> to vector<16xi32>
        %gather3A_461 = tpu.dynamic_gather %add3A_455[%gather3A_460] in [0] : vector<16xf32>, vector<16xi32> -> vector<16xf32>
        %add3A_462 = arith.addf %add3A_455, %gather3A_461 : vector<16xf32>
        %xor3A_463 = arith.constant 2 : i32
        %xor3A_464 = vector.broadcast %xor3A_463 : i32 to vector<16xi32>
        %xor3A_465 = arith.xori %iota3A_448, %xor3A_464 : vector<16xi32>
        %broadcast_in_dim3A_466 = vector.shape_cast %xor3A_465 : vector<16xi32> to vector<16x1xi32>
        %gather3A_467 = vector.shape_cast %broadcast_in_dim3A_466 : vector<16x1xi32> to vector<16xi32>
        %gather3A_468 = tpu.dynamic_gather %add3A_462[%gather3A_467] in [0] : vector<16xf32>, vector<16xi32> -> vector<16xf32>
        %add3A_469 = arith.addf %add3A_462, %gather3A_468 : vector<16xf32>
        %xor3A_470 = arith.constant 1 : i32
        %xor3A_471 = vector.broadcast %xor3A_470 : i32 to vector<16xi32>
        %xor3A_472 = arith.xori %iota3A_448, %xor3A_471 : vector<16xi32>
        %broadcast_in_dim3A_473 = vector.shape_cast %xor3A_472 : vector<16xi32> to vector<16x1xi32>
        %gather3A_474 = vector.shape_cast %broadcast_in_dim3A_473 : vector<16x1xi32> to vector<16xi32>
        %gather3A_475 = tpu.dynamic_gather %add3A_469[%gather3A_474] in [0] : vector<16xf32>, vector<16xi32> -> vector<16xf32>
        %add3A_476 = arith.addf %add3A_469, %gather3A_475 : vector<16xf32>
        %mul3A_477 = arith.constant 1.562500e-02 : f32
        %mul3A_478 = vector.broadcast %mul3A_477 : f32 to vector<16xf32>
        %mul3A_479 = arith.mulf %add3A_476, %mul3A_478 : vector<16xf32>
        %mul3A_480 = arith.mulf %mul3A_447, %mul3A_447 : vector<16xf32>
        %sub3A_481 = arith.subf %mul3A_479, %mul3A_480 : vector<16xf32>
        %max3A_482 = arith.constant 0.000000e+00 : f32
        %max3A_483 = vector.broadcast %max3A_482 : f32 to vector<16xf32>
        %max3A_484 = arith.maximumf %sub3A_481, %max3A_483 : vector<16xf32>
        %add3A_485 = arith.constant 9.99999996E-13 : f32
        %add3A_486 = vector.broadcast %add3A_485 : f32 to vector<16xf32>
        %add3A_487 = arith.addf %max3A_484, %add3A_486 : vector<16xf32>
        %bitcast_convert_type3A_488 = tpu.bitcast %add3A_487 : vector<16xf32> -> vector<16xi32>
        %shift_right_arithmetic3A_489 = arith.constant 1 : i32
        %shift_right_arithmetic3A_490 = vector.broadcast %shift_right_arithmetic3A_489 : i32 to vector<16xi32>
        %shift_right_arithmetic3A_491 = arith.shrsi %bitcast_convert_type3A_488, %shift_right_arithmetic3A_490 : vector<16xi32>
        %sub3A_492 = arith.constant 1597463007 : i32
        %sub3A_493 = vector.broadcast %sub3A_492 : i32 to vector<16xi32>
        %sub3A_494 = arith.subi %sub3A_493, %shift_right_arithmetic3A_491 : vector<16xi32>
        %bitcast_convert_type3A_495 = tpu.bitcast %sub3A_494 : vector<16xi32> -> vector<16xf32>
        %mul3A_496 = arith.constant 5.000000e-01 : f32
        %mul3A_497 = vector.broadcast %mul3A_496 : f32 to vector<16xf32>
        %mul3A_498 = arith.mulf %add3A_487, %mul3A_497 : vector<16xf32>
        %mul3A_499 = arith.mulf %mul3A_498, %bitcast_convert_type3A_495 : vector<16xf32>
        %mul3A_500 = arith.mulf %mul3A_499, %bitcast_convert_type3A_495 : vector<16xf32>
        %sub3A_501 = arith.constant 1.500000e+00 : f32
        %sub3A_502 = vector.broadcast %sub3A_501 : f32 to vector<16xf32>
        %sub3A_503 = arith.subf %sub3A_502, %mul3A_500 : vector<16xf32>
        %mul3A_504 = arith.mulf %bitcast_convert_type3A_495, %sub3A_503 : vector<16xf32>
        %sub3A_505 = arith.subf %add3A_402, %mul3A_447 : vector<16xf32>
        %mul3A_506 = arith.mulf %mul3A_504, %get3A_4 : vector<16xf32>
        %mul3A_507 = arith.mulf %sub3A_505, %mul3A_506 : vector<16xf32>
        %add3A_508 = arith.addf %mul3A_507, %get3A_16 : vector<16xf32>
        %sub3A_509 = arith.subf %add3A_403, %mul3A_447 : vector<16xf32>
        %mul3A_510 = arith.mulf %mul3A_504, %get3A_7 : vector<16xf32>
        %mul3A_511 = arith.mulf %sub3A_509, %mul3A_510 : vector<16xf32>
        %add3A_512 = arith.addf %mul3A_511, %get3A_19 : vector<16xf32>
        %sub3A_513 = arith.subf %add3A_404, %mul3A_447 : vector<16xf32>
        %mul3A_514 = arith.mulf %mul3A_504, %get3A_10 : vector<16xf32>
        %mul3A_515 = arith.mulf %sub3A_513, %mul3A_514 : vector<16xf32>
        %add3A_516 = arith.addf %mul3A_515, %get3A_22 : vector<16xf32>
        %sub3A_517 = arith.subf %add3A_405, %mul3A_447 : vector<16xf32>
        %mul3A_518 = arith.mulf %mul3A_504, %get3A_13 : vector<16xf32>
        %mul3A_519 = arith.mulf %sub3A_517, %mul3A_518 : vector<16xf32>
        %add3A_520 = arith.addf %mul3A_519, %get3A_25 : vector<16xf32>
        %add3A_521 = arith.constant 1 : i32
        %add3A_522 = arith.addi %add3A_361, %add3A_521 : i32
        %swap3A_523 = arith.index_cast %add3A_522 : i32 to index
        %swap3A_524 = arith.constant 0 : index
        %swap3A_525 = tpu.vector_load %arg15[%swap3A_523, %swap3A_524] {strides = array<i32>} : memref<201x64xf32, #tpu.memory_space<vmem>>, vector<1x16xf32>,
        %swap3A_526 = vector.shape_cast %swap3A_525 : vector<1x16xf32> to vector<16xf32>
        %swap3A_527 = vector.shape_cast %add3A_508 : vector<16xf32> to vector<1x16xf32>
        tpu.vector_store %arg15[%swap3A_523, %swap3A_524], %swap3A_527 {strides = array<i32>} : memref<201x64xf32, #tpu.memory_space<vmem>>, vector<1x16xf32>,
        %add3A_528 = arith.constant 1 : i32
        %add3A_529 = arith.addi %add3A_361, %add3A_528 : i32
        %swap3A_530 = arith.index_cast %add3A_529 : i32 to index
        %swap3A_531 = arith.constant 16 : index
        %swap3A_532 = tpu.vector_load %arg15[%swap3A_530, %swap3A_531] {strides = array<i32>} : memref<201x64xf32, #tpu.memory_space<vmem>>, vector<1x16xf32>,
        %swap3A_533 = vector.shape_cast %swap3A_532 : vector<1x16xf32> to vector<16xf32>
        %swap3A_534 = vector.shape_cast %add3A_512 : vector<16xf32> to vector<1x16xf32>
        tpu.vector_store %arg15[%swap3A_530, %swap3A_531], %swap3A_534 {strides = array<i32>} : memref<201x64xf32, #tpu.memory_space<vmem>>, vector<1x16xf32>,
        %add3A_535 = arith.constant 1 : i32
        %add3A_536 = arith.addi %add3A_361, %add3A_535 : i32
        %swap3A_537 = arith.index_cast %add3A_536 : i32 to index
        %swap3A_538 = arith.constant 32 : index
        %swap3A_539 = tpu.vector_load %arg15[%swap3A_537, %swap3A_538] {strides = array<i32>} : memref<201x64xf32, #tpu.memory_space<vmem>>, vector<1x16xf32>,
        %swap3A_540 = vector.shape_cast %swap3A_539 : vector<1x16xf32> to vector<16xf32>
        %swap3A_541 = vector.shape_cast %add3A_516 : vector<16xf32> to vector<1x16xf32>
        tpu.vector_store %arg15[%swap3A_537, %swap3A_538], %swap3A_541 {strides = array<i32>} : memref<201x64xf32, #tpu.memory_space<vmem>>, vector<1x16xf32>,
        %add3A_542 = arith.constant 1 : i32
        %add3A_543 = arith.addi %add3A_361, %add3A_542 : i32
        %swap3A_544 = arith.index_cast %add3A_543 : i32 to index
        %swap3A_545 = arith.constant 48 : index
        %swap3A_546 = tpu.vector_load %arg15[%swap3A_544, %swap3A_545] {strides = array<i32>} : memref<201x64xf32, #tpu.memory_space<vmem>>, vector<1x16xf32>,
        %swap3A_547 = vector.shape_cast %swap3A_546 : vector<1x16xf32> to vector<16xf32>
        %swap3A_548 = vector.shape_cast %add3A_520 : vector<16xf32> to vector<1x16xf32>
        tpu.vector_store %arg15[%swap3A_544, %swap3A_545], %swap3A_548 {strides = array<i32>} : memref<201x64xf32, #tpu.memory_space<vmem>>, vector<1x16xf32>,
      }
      %scan3A_305 = arith.constant 200 : i32
      %mul3A_306 = arith.constant 128 : i32
      %mul3A_307 = arith.muli %add3A, %mul3A_306 : i32
      %add3A_308 = arith.addi %mul3A_307, %add3A_292 : i32
      %dma_start3A_309 = arith.constant 0 : i32
      %dma_start3A_310 = arith.constant 0 : i32
      %dma_start3A_311 = tpu.memref_slice %arg7[%add3A_308, %dma_start3A_309, %dma_start3A_310] : memref<4096x208x128xf32, #tpu.memory_space<hbm>> -> memref<1x201x64xf32, #tpu.memory_space<hbm>>
      %dma_start3A_312 = tpu.memref_squeeze %dma_start3A_311 : memref<1x201x64xf32, #tpu.memory_space<hbm>> -> memref<201x64xf32, #tpu.memory_space<hbm>>
      %dma_start3A_313 = arith.constant 0 : i32
      %dma_start3A_314 = arith.constant 0 : i32
      %dma_start3A_315 = tpu.memref_slice %arg7[%add3A_308, %dma_start3A_313, %dma_start3A_314] : memref<4096x208x128xf32, #tpu.memory_space<hbm>> -> memref<1x201x64xf32, #tpu.memory_space<hbm>>
      %dma_start3A_316 = tpu.memref_squeeze %dma_start3A_315 : memref<1x201x64xf32, #tpu.memory_space<hbm>> -> memref<201x64xf32, #tpu.memory_space<hbm>>
      tpu.enqueue_dma source(%arg15 : memref<201x64xf32, #tpu.memory_space<vmem>>) target(%dma_start3A_316 : memref<201x64xf32, #tpu.memory_space<hbm>>) target_semaphore(%arg19 : memref<!tpu.dma_semaphore, #tpu.memory_space<semaphore_mem>>)
      %lt3A = arith.constant 63 : i32
      %lt3A_317 = arith.cmpi slt, %add3A_288, %lt3A : i32
      %convert_element_type3A_318 = arith.extui %lt3A_317 : i1 to i32
      %cond3A_319 = arith.constant 0 : i32
      %cond3A_320 = arith.cmpi ne, %convert_element_type3A_318, %cond3A_319 : i32
      scf.if %cond3A_320 {
        %add3A_357 = arith.constant 2 : i32
        %add3A_358 = arith.addi %add3A_292, %add3A_357 : i32
        %mul3A_359 = arith.constant 2 : i32
        %mul3A_360 = arith.muli %mul3A_359, %add3A_358 : i32
        %add3A_361 = arith.constant 0 : i32
        %add3A_362 = arith.addi %mul3A_360, %add3A_361 : i32
        %dma_start3A_363 = arith.constant 0 : i32
        %dma_start3A_364 = arith.constant 0 : i32
        %dma_start3A_365 = tpu.memref_slice %arg13[%dma_start3A_363, %dma_start3A_364] : memref<200x64xf32, #tpu.memory_space<vmem>> -> memref<100x64xf32, #tpu.memory_space<vmem>>
        %dma_start3A_366 = arith.constant 0 : i32
        %dma_start3A_367 = tpu.memref_slice %arg8[%add3A_362, %dma_start3A_366] : memref<256x100xi32, #tpu.memory_space<vmem>> -> memref<1x100xi32, #tpu.memory_space<vmem>>
        %dma_start3A_368 = tpu.memref_squeeze %dma_start3A_367 : memref<1x100xi32, #tpu.memory_space<vmem>> -> memref<100xi32, #tpu.memory_space<vmem>>
        %dma_start3A_369 = arith.constant 0 : i32
        %dma_start3A_370 = arith.constant 0 : i32
        %dma_start3A_371 = tpu.memref_slice %arg3[%dma_start3A_369, %dma_start3A_370] : memref<100001x64xf32, #tpu.memory_space<hbm>> -> memref<100001x64xf32, #tpu.memory_space<hbm>>
        tpu.enqueue_indirect_dma source(%dma_start3A_371 : memref<100001x64xf32, #tpu.memory_space<hbm>>) target(%dma_start3A_365 : memref<100x64xf32, #tpu.memory_space<vmem>>) offsets(%dma_start3A_368 : memref<100xi32, #tpu.memory_space<vmem>>) semaphore(%arg17 : memref<!tpu.dma_semaphore, #tpu.memory_space<semaphore_mem>>)
        %mul3A_372 = arith.constant 2 : i32
        %mul3A_373 = arith.muli %mul3A_372, %add3A_358 : i32
        %add3A_374 = arith.constant 1 : i32
        %add3A_375 = arith.addi %mul3A_373, %add3A_374 : i32
        %dma_start3A_376 = arith.constant 100 : i32
        %dma_start3A_377 = arith.constant 0 : i32
        %dma_start3A_378 = tpu.memref_slice %arg13[%dma_start3A_376, %dma_start3A_377] : memref<200x64xf32, #tpu.memory_space<vmem>> -> memref<100x64xf32, #tpu.memory_space<vmem>>
        %dma_start3A_379 = arith.constant 0 : i32
        %dma_start3A_380 = tpu.memref_slice %arg8[%add3A_375, %dma_start3A_379] : memref<256x100xi32, #tpu.memory_space<vmem>> -> memref<1x100xi32, #tpu.memory_space<vmem>>
        %dma_start3A_381 = tpu.memref_squeeze %dma_start3A_380 : memref<1x100xi32, #tpu.memory_space<vmem>> -> memref<100xi32, #tpu.memory_space<vmem>>
        %dma_start3A_382 = arith.constant 0 : i32
        %dma_start3A_383 = arith.constant 0 : i32
        %dma_start3A_384 = tpu.memref_slice %arg3[%dma_start3A_382, %dma_start3A_383] : memref<100001x64xf32, #tpu.memory_space<hbm>> -> memref<100001x64xf32, #tpu.memory_space<hbm>>
        tpu.enqueue_indirect_dma source(%dma_start3A_384 : memref<100001x64xf32, #tpu.memory_space<hbm>>) target(%dma_start3A_378 : memref<100x64xf32, #tpu.memory_space<vmem>>) offsets(%dma_start3A_381 : memref<100xi32, #tpu.memory_space<vmem>>) semaphore(%arg17 : memref<!tpu.dma_semaphore, #tpu.memory_space<semaphore_mem>>)
      } else {
      }
      %mul3A_321 = arith.constant 2 : i32
      %mul3A_322 = arith.muli %mul3A_321, %add3A_288 : i32
      %add3A_323 = arith.constant 1 : i32
      %add3A_324 = arith.addi %mul3A_322, %add3A_323 : i32
      %dma_wait3A_325 = arith.constant 0 : i32
      %dma_wait3A_326 = arith.constant 0 : i32
      %dma_wait3A_327 = tpu.memref_slice %arg3[%dma_wait3A_325, %dma_wait3A_326] : memref<100001x64xf32, #tpu.memory_space<hbm>> -> memref<200x64xf32, #tpu.memory_space<hbm>>
      %dma_wait3A_328 = arith.constant 0 : i32
      %dma_wait3A_329 = arith.constant 0 : i32
      %dma_wait3A_330 = tpu.memref_slice %arg3[%dma_wait3A_328, %dma_wait3A_329] : memref<100001x64xf32, #tpu.memory_space<hbm>> -> memref<200x64xf32, #tpu.memory_space<hbm>>
      tpu.wait_dma2 semaphore(%arg18 : memref<!tpu.dma_semaphore, #tpu.memory_space<semaphore_mem>>) src(%dma_wait3A_330 : memref<200x64xf32, #tpu.memory_space<hbm>>) dst(%arg14 : memref<200x64xf32, #tpu.memory_space<vmem>>)
      %gt3A_331 = arith.constant 0 : i32
      %gt3A_332 = arith.cmpi sgt, %add3A_288, %gt3A_331 : i32
      %convert_element_type3A_333 = arith.extui %gt3A_332 : i1 to i32
      %cond3A_334 = arith.constant 0 : i32
      %cond3A_335 = arith.cmpi ne, %convert_element_type3A_333, %cond3A_334 : i32
      scf.if %cond3A_335 {
        %dma_wait3A_357 = arith.constant 0 : i32
        %dma_wait3A_358 = arith.constant 0 : i32
        %dma_wait3A_359 = arith.constant 0 : i32
        %dma_wait3A_360 = tpu.memref_slice %arg7[%dma_wait3A_357, %dma_wait3A_358, %dma_wait3A_359] : memref<4096x208x128xf32, #tpu.memory_space<hbm>> -> memref<1x201x64xf32, #tpu.memory_space<hbm>>
        %dma_wait3A_361 = tpu.memref_squeeze %dma_wait3A_360 : memref<1x201x64xf32, #tpu.memory_space<hbm>> -> memref<201x64xf32, #tpu.memory_space<hbm>>
        %dma_wait3A_362 = arith.constant 0 : i32
        %dma_wait3A_363 = arith.constant 0 : i32
        %dma_wait3A_364 = tpu.memref_slice %arg7[%dma_wait3A_357, %dma_wait3A_362, %dma_wait3A_363] : memref<4096x208x128xf32, #tpu.memory_space<hbm>> -> memref<1x201x64xf32, #tpu.memory_space<hbm>>
        %dma_wait3A_365 = tpu.memref_squeeze %dma_wait3A_364 : memref<1x201x64xf32, #tpu.memory_space<hbm>> -> memref<201x64xf32, #tpu.memory_space<hbm>>
        tpu.wait_dma2 semaphore(%arg20 : memref<!tpu.dma_semaphore, #tpu.memory_space<semaphore_mem>>) src(%arg16 : memref<201x64xf32, #tpu.memory_space<vmem>>) dst(%dma_wait3A_365 : memref<201x64xf32, #tpu.memory_space<hbm>>)
      } else {
      }
      %scan3A_336 = arith.constant 0 : i32
      %scan3A_337 = arith.constant 200 : i32
      %scan3A_338 = arith.addi %scan3A_336, %scan3A_337 : i32
      %scan3A_339 = arith.constant 1 : i32
      scf.for %scan3A_357 = %scan3A_336 to %scan3A_338 step %scan3A_339  : i32 {
        %mul3A_358 = arith.constant 1 : i32
        %mul3A_359 = arith.muli %scan3A_357, %mul3A_358 : i32
        %add3A_360 = arith.constant 0 : i32
        %add3A_361 = arith.addi %add3A_360, %mul3A_359 : i32
        %get3A_362 = arith.index_cast %add3A_361 : i32 to index
        %get3A_363 = arith.constant 0 : index
        %get3A_364 = tpu.vector_load %arg14[%get3A_362, %get3A_363] {strides = array<i32>} : memref<200x64xf32, #tpu.memory_space<vmem>>, vector<1x16xf32>,
        %get3A_365 = vector.shape_cast %get3A_364 : vector<1x16xf32> to vector<16xf32>
        %get3A_366 = arith.index_cast %add3A_361 : i32 to index
        %get3A_367 = arith.constant 16 : index
        %get3A_368 = tpu.vector_load %arg14[%get3A_366, %get3A_367] {strides = array<i32>} : memref<200x64xf32, #tpu.memory_space<vmem>>, vector<1x16xf32>,
        %get3A_369 = vector.shape_cast %get3A_368 : vector<1x16xf32> to vector<16xf32>
        %get3A_370 = arith.index_cast %add3A_361 : i32 to index
        %get3A_371 = arith.constant 32 : index
        %get3A_372 = tpu.vector_load %arg14[%get3A_370, %get3A_371] {strides = array<i32>} : memref<200x64xf32, #tpu.memory_space<vmem>>, vector<1x16xf32>,
        %get3A_373 = vector.shape_cast %get3A_372 : vector<1x16xf32> to vector<16xf32>
        %get3A_374 = arith.index_cast %add3A_361 : i32 to index
        %get3A_375 = arith.constant 48 : index
        %get3A_376 = tpu.vector_load %arg14[%get3A_374, %get3A_375] {strides = array<i32>} : memref<200x64xf32, #tpu.memory_space<vmem>>, vector<1x16xf32>,
        %get3A_377 = vector.shape_cast %get3A_376 : vector<1x16xf32> to vector<16xf32>
        %add3A_378 = arith.constant 1 : i32
        %add3A_379 = arith.addi %add3A_361, %add3A_378 : i32
        %get3A_380 = arith.index_cast %add3A_379 : i32 to index
        %get3A_381 = arith.constant 0 : index
        %get3A_382 = tpu.vector_load %arg9[%get3A_380, %get3A_381] {strides = array<i32>} : memref<201x64xf32, #tpu.memory_space<vmem>>, vector<1x16xf32>,
        %get3A_383 = vector.shape_cast %get3A_382 : vector<1x16xf32> to vector<16xf32>
        %add3A_384 = arith.constant 1 : i32
        %add3A_385 = arith.addi %add3A_361, %add3A_384 : i32
        %get3A_386 = arith.index_cast %add3A_385 : i32 to index
        %get3A_387 = arith.constant 16 : index
        %get3A_388 = tpu.vector_load %arg9[%get3A_386, %get3A_387] {strides = array<i32>} : memref<201x64xf32, #tpu.memory_space<vmem>>, vector<1x16xf32>,
        %get3A_389 = vector.shape_cast %get3A_388 : vector<1x16xf32> to vector<16xf32>
        %add3A_390 = arith.constant 1 : i32
        %add3A_391 = arith.addi %add3A_361, %add3A_390 : i32
        %get3A_392 = arith.index_cast %add3A_391 : i32 to index
        %get3A_393 = arith.constant 32 : index
        %get3A_394 = tpu.vector_load %arg9[%get3A_392, %get3A_393] {strides = array<i32>} : memref<201x64xf32, #tpu.memory_space<vmem>>, vector<1x16xf32>,
        %get3A_395 = vector.shape_cast %get3A_394 : vector<1x16xf32> to vector<16xf32>
        %add3A_396 = arith.constant 1 : i32
        %add3A_397 = arith.addi %add3A_361, %add3A_396 : i32
        %get3A_398 = arith.index_cast %add3A_397 : i32 to index
        %get3A_399 = arith.constant 48 : index
        %get3A_400 = tpu.vector_load %arg9[%get3A_398, %get3A_399] {strides = array<i32>} : memref<201x64xf32, #tpu.memory_space<vmem>>, vector<1x16xf32>,
        %get3A_401 = vector.shape_cast %get3A_400 : vector<1x16xf32> to vector<16xf32>
        %add3A_402 = arith.addf %get3A_365, %get3A_383 : vector<16xf32>
        %add3A_403 = arith.addf %get3A_369, %get3A_389 : vector<16xf32>
        %add3A_404 = arith.addf %get3A_373, %get3A_395 : vector<16xf32>
        %add3A_405 = arith.addf %get3A_377, %get3A_401 : vector<16xf32>
        %add3A_406 = arith.addf %add3A_402, %add3A_403 : vector<16xf32>
        %add3A_407 = arith.addf %add3A_404, %add3A_405 : vector<16xf32>
        %add3A_408 = arith.addf %add3A_406, %add3A_407 : vector<16xf32>
        %mul3A_409 = arith.mulf %add3A_402, %add3A_402 : vector<16xf32>
        %mul3A_410 = arith.mulf %add3A_403, %add3A_403 : vector<16xf32>
        %add3A_411 = arith.addf %mul3A_409, %mul3A_410 : vector<16xf32>
        %mul3A_412 = arith.mulf %add3A_404, %add3A_404 : vector<16xf32>
        %mul3A_413 = arith.mulf %add3A_405, %add3A_405 : vector<16xf32>
        %add3A_414 = arith.addf %mul3A_412, %mul3A_413 : vector<16xf32>
        %add3A_415 = arith.addf %add3A_411, %add3A_414 : vector<16xf32>
        %iota3A_416 = tpu.iota {dimensions = array<i32: 0>} : vector<16xi32>
        %xor3A_417 = arith.constant 8 : i32
        %xor3A_418 = vector.broadcast %xor3A_417 : i32 to vector<16xi32>
        %xor3A_419 = arith.xori %iota3A_416, %xor3A_418 : vector<16xi32>
        %broadcast_in_dim3A_420 = vector.shape_cast %xor3A_419 : vector<16xi32> to vector<16x1xi32>
        %gather3A_421 = vector.shape_cast %broadcast_in_dim3A_420 : vector<16x1xi32> to vector<16xi32>
        %gather3A_422 = tpu.dynamic_gather %add3A_408[%gather3A_421] in [0] : vector<16xf32>, vector<16xi32> -> vector<16xf32>
        %add3A_423 = arith.addf %add3A_408, %gather3A_422 : vector<16xf32>
        %xor3A_424 = arith.constant 4 : i32
        %xor3A_425 = vector.broadcast %xor3A_424 : i32 to vector<16xi32>
        %xor3A_426 = arith.xori %iota3A_416, %xor3A_425 : vector<16xi32>
        %broadcast_in_dim3A_427 = vector.shape_cast %xor3A_426 : vector<16xi32> to vector<16x1xi32>
        %gather3A_428 = vector.shape_cast %broadcast_in_dim3A_427 : vector<16x1xi32> to vector<16xi32>
        %gather3A_429 = tpu.dynamic_gather %add3A_423[%gather3A_428] in [0] : vector<16xf32>, vector<16xi32> -> vector<16xf32>
        %add3A_430 = arith.addf %add3A_423, %gather3A_429 : vector<16xf32>
        %xor3A_431 = arith.constant 2 : i32
        %xor3A_432 = vector.broadcast %xor3A_431 : i32 to vector<16xi32>
        %xor3A_433 = arith.xori %iota3A_416, %xor3A_432 : vector<16xi32>
        %broadcast_in_dim3A_434 = vector.shape_cast %xor3A_433 : vector<16xi32> to vector<16x1xi32>
        %gather3A_435 = vector.shape_cast %broadcast_in_dim3A_434 : vector<16x1xi32> to vector<16xi32>
        %gather3A_436 = tpu.dynamic_gather %add3A_430[%gather3A_435] in [0] : vector<16xf32>, vector<16xi32> -> vector<16xf32>
        %add3A_437 = arith.addf %add3A_430, %gather3A_436 : vector<16xf32>
        %xor3A_438 = arith.constant 1 : i32
        %xor3A_439 = vector.broadcast %xor3A_438 : i32 to vector<16xi32>
        %xor3A_440 = arith.xori %iota3A_416, %xor3A_439 : vector<16xi32>
        %broadcast_in_dim3A_441 = vector.shape_cast %xor3A_440 : vector<16xi32> to vector<16x1xi32>
        %gather3A_442 = vector.shape_cast %broadcast_in_dim3A_441 : vector<16x1xi32> to vector<16xi32>
        %gather3A_443 = tpu.dynamic_gather %add3A_437[%gather3A_442] in [0] : vector<16xf32>, vector<16xi32> -> vector<16xf32>
        %add3A_444 = arith.addf %add3A_437, %gather3A_443 : vector<16xf32>
        %mul3A_445 = arith.constant 1.562500e-02 : f32
        %mul3A_446 = vector.broadcast %mul3A_445 : f32 to vector<16xf32>
        %mul3A_447 = arith.mulf %add3A_444, %mul3A_446 : vector<16xf32>
        %iota3A_448 = tpu.iota {dimensions = array<i32: 0>} : vector<16xi32>
        %xor3A_449 = arith.constant 8 : i32
        %xor3A_450 = vector.broadcast %xor3A_449 : i32 to vector<16xi32>
        %xor3A_451 = arith.xori %iota3A_448, %xor3A_450 : vector<16xi32>
        %broadcast_in_dim3A_452 = vector.shape_cast %xor3A_451 : vector<16xi32> to vector<16x1xi32>
        %gather3A_453 = vector.shape_cast %broadcast_in_dim3A_452 : vector<16x1xi32> to vector<16xi32>
        %gather3A_454 = tpu.dynamic_gather %add3A_415[%gather3A_453] in [0] : vector<16xf32>, vector<16xi32> -> vector<16xf32>
        %add3A_455 = arith.addf %add3A_415, %gather3A_454 : vector<16xf32>
        %xor3A_456 = arith.constant 4 : i32
        %xor3A_457 = vector.broadcast %xor3A_456 : i32 to vector<16xi32>
        %xor3A_458 = arith.xori %iota3A_448, %xor3A_457 : vector<16xi32>
        %broadcast_in_dim3A_459 = vector.shape_cast %xor3A_458 : vector<16xi32> to vector<16x1xi32>
        %gather3A_460 = vector.shape_cast %broadcast_in_dim3A_459 : vector<16x1xi32> to vector<16xi32>
        %gather3A_461 = tpu.dynamic_gather %add3A_455[%gather3A_460] in [0] : vector<16xf32>, vector<16xi32> -> vector<16xf32>
        %add3A_462 = arith.addf %add3A_455, %gather3A_461 : vector<16xf32>
        %xor3A_463 = arith.constant 2 : i32
        %xor3A_464 = vector.broadcast %xor3A_463 : i32 to vector<16xi32>
        %xor3A_465 = arith.xori %iota3A_448, %xor3A_464 : vector<16xi32>
        %broadcast_in_dim3A_466 = vector.shape_cast %xor3A_465 : vector<16xi32> to vector<16x1xi32>
        %gather3A_467 = vector.shape_cast %broadcast_in_dim3A_466 : vector<16x1xi32> to vector<16xi32>
        %gather3A_468 = tpu.dynamic_gather %add3A_462[%gather3A_467] in [0] : vector<16xf32>, vector<16xi32> -> vector<16xf32>
        %add3A_469 = arith.addf %add3A_462, %gather3A_468 : vector<16xf32>
        %xor3A_470 = arith.constant 1 : i32
        %xor3A_471 = vector.broadcast %xor3A_470 : i32 to vector<16xi32>
        %xor3A_472 = arith.xori %iota3A_448, %xor3A_471 : vector<16xi32>
        %broadcast_in_dim3A_473 = vector.shape_cast %xor3A_472 : vector<16xi32> to vector<16x1xi32>
        %gather3A_474 = vector.shape_cast %broadcast_in_dim3A_473 : vector<16x1xi32> to vector<16xi32>
        %gather3A_475 = tpu.dynamic_gather %add3A_469[%gather3A_474] in [0] : vector<16xf32>, vector<16xi32> -> vector<16xf32>
        %add3A_476 = arith.addf %add3A_469, %gather3A_475 : vector<16xf32>
        %mul3A_477 = arith.constant 1.562500e-02 : f32
        %mul3A_478 = vector.broadcast %mul3A_477 : f32 to vector<16xf32>
        %mul3A_479 = arith.mulf %add3A_476, %mul3A_478 : vector<16xf32>
        %mul3A_480 = arith.mulf %mul3A_447, %mul3A_447 : vector<16xf32>
        %sub3A_481 = arith.subf %mul3A_479, %mul3A_480 : vector<16xf32>
        %max3A_482 = arith.constant 0.000000e+00 : f32
        %max3A_483 = vector.broadcast %max3A_482 : f32 to vector<16xf32>
        %max3A_484 = arith.maximumf %sub3A_481, %max3A_483 : vector<16xf32>
        %add3A_485 = arith.constant 9.99999996E-13 : f32
        %add3A_486 = vector.broadcast %add3A_485 : f32 to vector<16xf32>
        %add3A_487 = arith.addf %max3A_484, %add3A_486 : vector<16xf32>
        %bitcast_convert_type3A_488 = tpu.bitcast %add3A_487 : vector<16xf32> -> vector<16xi32>
        %shift_right_arithmetic3A_489 = arith.constant 1 : i32
        %shift_right_arithmetic3A_490 = vector.broadcast %shift_right_arithmetic3A_489 : i32 to vector<16xi32>
        %shift_right_arithmetic3A_491 = arith.shrsi %bitcast_convert_type3A_488, %shift_right_arithmetic3A_490 : vector<16xi32>
        %sub3A_492 = arith.constant 1597463007 : i32
        %sub3A_493 = vector.broadcast %sub3A_492 : i32 to vector<16xi32>
        %sub3A_494 = arith.subi %sub3A_493, %shift_right_arithmetic3A_491 : vector<16xi32>
        %bitcast_convert_type3A_495 = tpu.bitcast %sub3A_494 : vector<16xi32> -> vector<16xf32>
        %mul3A_496 = arith.constant 5.000000e-01 : f32
        %mul3A_497 = vector.broadcast %mul3A_496 : f32 to vector<16xf32>
        %mul3A_498 = arith.mulf %add3A_487, %mul3A_497 : vector<16xf32>
        %mul3A_499 = arith.mulf %mul3A_498, %bitcast_convert_type3A_495 : vector<16xf32>
        %mul3A_500 = arith.mulf %mul3A_499, %bitcast_convert_type3A_495 : vector<16xf32>
        %sub3A_501 = arith.constant 1.500000e+00 : f32
        %sub3A_502 = vector.broadcast %sub3A_501 : f32 to vector<16xf32>
        %sub3A_503 = arith.subf %sub3A_502, %mul3A_500 : vector<16xf32>
        %mul3A_504 = arith.mulf %bitcast_convert_type3A_495, %sub3A_503 : vector<16xf32>
        %sub3A_505 = arith.subf %add3A_402, %mul3A_447 : vector<16xf32>
        %mul3A_506 = arith.mulf %mul3A_504, %get3A_4 : vector<16xf32>
        %mul3A_507 = arith.mulf %sub3A_505, %mul3A_506 : vector<16xf32>
        %add3A_508 = arith.addf %mul3A_507, %get3A_16 : vector<16xf32>
        %sub3A_509 = arith.subf %add3A_403, %mul3A_447 : vector<16xf32>
        %mul3A_510 = arith.mulf %mul3A_504, %get3A_7 : vector<16xf32>
        %mul3A_511 = arith.mulf %sub3A_509, %mul3A_510 : vector<16xf32>
        %add3A_512 = arith.addf %mul3A_511, %get3A_19 : vector<16xf32>
        %sub3A_513 = arith.subf %add3A_404, %mul3A_447 : vector<16xf32>
        %mul3A_514 = arith.mulf %mul3A_504, %get3A_10 : vector<16xf32>
        %mul3A_515 = arith.mulf %sub3A_513, %mul3A_514 : vector<16xf32>
        %add3A_516 = arith.addf %mul3A_515, %get3A_22 : vector<16xf32>
        %sub3A_517 = arith.subf %add3A_405, %mul3A_447 : vector<16xf32>
        %mul3A_518 = arith.mulf %mul3A_504, %get3A_13 : vector<16xf32>
        %mul3A_519 = arith.mulf %sub3A_517, %mul3A_518 : vector<16xf32>
        %add3A_520 = arith.addf %mul3A_519, %get3A_25 : vector<16xf32>
        %add3A_521 = arith.constant 1 : i32
        %add3A_522 = arith.addi %add3A_361, %add3A_521 : i32
        %swap3A_523 = arith.index_cast %add3A_522 : i32 to index
        %swap3A_524 = arith.constant 0 : index
        %swap3A_525 = tpu.vector_load %arg16[%swap3A_523, %swap3A_524] {strides = array<i32>} : memref<201x64xf32, #tpu.memory_space<vmem>>, vector<1x16xf32>,
        %swap3A_526 = vector.shape_cast %swap3A_525 : vector<1x16xf32> to vector<16xf32>
        %swap3A_527 = vector.shape_cast %add3A_508 : vector<16xf32> to vector<1x16xf32>
        tpu.vector_store %arg16[%swap3A_523, %swap3A_524], %swap3A_527 {strides = array<i32>} : memref<201x64xf32, #tpu.memory_space<vmem>>, vector<1x16xf32>,
        %add3A_528 = arith.constant 1 : i32
        %add3A_529 = arith.addi %add3A_361, %add3A_528 : i32
        %swap3A_530 = arith.index_cast %add3A_529 : i32 to index
        %swap3A_531 = arith.constant 16 : index
        %swap3A_532 = tpu.vector_load %arg16[%swap3A_530, %swap3A_531] {strides = array<i32>} : memref<201x64xf32, #tpu.memory_space<vmem>>, vector<1x16xf32>,
        %swap3A_533 = vector.shape_cast %swap3A_532 : vector<1x16xf32> to vector<16xf32>
        %swap3A_534 = vector.shape_cast %add3A_512 : vector<16xf32> to vector<1x16xf32>
        tpu.vector_store %arg16[%swap3A_530, %swap3A_531], %swap3A_534 {strides = array<i32>} : memref<201x64xf32, #tpu.memory_space<vmem>>, vector<1x16xf32>,
        %add3A_535 = arith.constant 1 : i32
        %add3A_536 = arith.addi %add3A_361, %add3A_535 : i32
        %swap3A_537 = arith.index_cast %add3A_536 : i32 to index
        %swap3A_538 = arith.constant 32 : index
        %swap3A_539 = tpu.vector_load %arg16[%swap3A_537, %swap3A_538] {strides = array<i32>} : memref<201x64xf32, #tpu.memory_space<vmem>>, vector<1x16xf32>,
        %swap3A_540 = vector.shape_cast %swap3A_539 : vector<1x16xf32> to vector<16xf32>
        %swap3A_541 = vector.shape_cast %add3A_516 : vector<16xf32> to vector<1x16xf32>
        tpu.vector_store %arg16[%swap3A_537, %swap3A_538], %swap3A_541 {strides = array<i32>} : memref<201x64xf32, #tpu.memory_space<vmem>>, vector<1x16xf32>,
        %add3A_542 = arith.constant 1 : i32
        %add3A_543 = arith.addi %add3A_361, %add3A_542 : i32
        %swap3A_544 = arith.index_cast %add3A_543 : i32 to index
        %swap3A_545 = arith.constant 48 : index
        %swap3A_546 = tpu.vector_load %arg16[%swap3A_544, %swap3A_545] {strides = array<i32>} : memref<201x64xf32, #tpu.memory_space<vmem>>, vector<1x16xf32>,
        %swap3A_547 = vector.shape_cast %swap3A_546 : vector<1x16xf32> to vector<16xf32>
        %swap3A_548 = vector.shape_cast %add3A_520 : vector<16xf32> to vector<1x16xf32>
        tpu.vector_store %arg16[%swap3A_544, %swap3A_545], %swap3A_548 {strides = array<i32>} : memref<201x64xf32, #tpu.memory_space<vmem>>, vector<1x16xf32>,
      }
      %scan3A_340 = arith.constant 200 : i32
      %mul3A_341 = arith.constant 128 : i32
      %mul3A_342 = arith.muli %add3A, %mul3A_341 : i32
      %add3A_343 = arith.addi %mul3A_342, %add3A_324 : i32
      %dma_start3A_344 = arith.constant 0 : i32
      %dma_start3A_345 = arith.constant 0 : i32
      %dma_start3A_346 = tpu.memref_slice %arg7[%add3A_343, %dma_start3A_344, %dma_start3A_345] : memref<4096x208x128xf32, #tpu.memory_space<hbm>> -> memref<1x201x64xf32, #tpu.memory_space<hbm>>
      %dma_start3A_347 = tpu.memref_squeeze %dma_start3A_346 : memref<1x201x64xf32, #tpu.memory_space<hbm>> -> memref<201x64xf32, #tpu.memory_space<hbm>>
      %dma_start3A_348 = arith.constant 0 : i32
      %dma_start3A_349 = arith.constant 0 : i32
      %dma_start3A_350 = tpu.memref_slice %arg7[%add3A_343, %dma_start3A_348, %dma_start3A_349] : memref<4096x208x128xf32, #tpu.memory_space<hbm>> -> memref<1x201x64xf32, #tpu.memory_space<hbm>>
      %dma_start3A_351 = tpu.memref_squeeze %dma_start3A_350 : memref<1x201x64xf32, #tpu.memory_space<hbm>> -> memref<201x64xf32, #tpu.memory_space<hbm>>
      tpu.enqueue_dma source(%arg16 : memref<201x64xf32, #tpu.memory_space<vmem>>) target(%dma_start3A_351 : memref<201x64xf32, #tpu.memory_space<hbm>>) target_semaphore(%arg20 : memref<!tpu.dma_semaphore, #tpu.memory_space<semaphore_mem>>)
      %lt3A_352 = arith.constant 63 : i32
      %lt3A_353 = arith.cmpi slt, %add3A_288, %lt3A_352 : i32
      %convert_element_type3A_354 = arith.extui %lt3A_353 : i1 to i32
      %cond3A_355 = arith.constant 0 : i32
      %cond3A_356 = arith.cmpi ne, %convert_element_type3A_354, %cond3A_355 : i32
      scf.if %cond3A_356 {
        %add3A_357 = arith.constant 2 : i32
        %add3A_358 = arith.addi %add3A_324, %add3A_357 : i32
        %mul3A_359 = arith.constant 2 : i32
        %mul3A_360 = arith.muli %mul3A_359, %add3A_358 : i32
        %add3A_361 = arith.constant 0 : i32
        %add3A_362 = arith.addi %mul3A_360, %add3A_361 : i32
        %dma_start3A_363 = arith.constant 0 : i32
        %dma_start3A_364 = arith.constant 0 : i32
        %dma_start3A_365 = tpu.memref_slice %arg14[%dma_start3A_363, %dma_start3A_364] : memref<200x64xf32, #tpu.memory_space<vmem>> -> memref<100x64xf32, #tpu.memory_space<vmem>>
        %dma_start3A_366 = arith.constant 0 : i32
        %dma_start3A_367 = tpu.memref_slice %arg8[%add3A_362, %dma_start3A_366] : memref<256x100xi32, #tpu.memory_space<vmem>> -> memref<1x100xi32, #tpu.memory_space<vmem>>
        %dma_start3A_368 = tpu.memref_squeeze %dma_start3A_367 : memref<1x100xi32, #tpu.memory_space<vmem>> -> memref<100xi32, #tpu.memory_space<vmem>>
        %dma_start3A_369 = arith.constant 0 : i32
        %dma_start3A_370 = arith.constant 0 : i32
        %dma_start3A_371 = tpu.memref_slice %arg3[%dma_start3A_369, %dma_start3A_370] : memref<100001x64xf32, #tpu.memory_space<hbm>> -> memref<100001x64xf32, #tpu.memory_space<hbm>>
        tpu.enqueue_indirect_dma source(%dma_start3A_371 : memref<100001x64xf32, #tpu.memory_space<hbm>>) target(%dma_start3A_365 : memref<100x64xf32, #tpu.memory_space<vmem>>) offsets(%dma_start3A_368 : memref<100xi32, #tpu.memory_space<vmem>>) semaphore(%arg18 : memref<!tpu.dma_semaphore, #tpu.memory_space<semaphore_mem>>)
        %mul3A_372 = arith.constant 2 : i32
        %mul3A_373 = arith.muli %mul3A_372, %add3A_358 : i32
        %add3A_374 = arith.constant 1 : i32
        %add3A_375 = arith.addi %mul3A_373, %add3A_374 : i32
        %dma_start3A_376 = arith.constant 100 : i32
        %dma_start3A_377 = arith.constant 0 : i32
        %dma_start3A_378 = tpu.memref_slice %arg14[%dma_start3A_376, %dma_start3A_377] : memref<200x64xf32, #tpu.memory_space<vmem>> -> memref<100x64xf32, #tpu.memory_space<vmem>>
        %dma_start3A_379 = arith.constant 0 : i32
        %dma_start3A_380 = tpu.memref_slice %arg8[%add3A_375, %dma_start3A_379] : memref<256x100xi32, #tpu.memory_space<vmem>> -> memref<1x100xi32, #tpu.memory_space<vmem>>
        %dma_start3A_381 = tpu.memref_squeeze %dma_start3A_380 : memref<1x100xi32, #tpu.memory_space<vmem>> -> memref<100xi32, #tpu.memory_space<vmem>>
        %dma_start3A_382 = arith.constant 0 : i32
        %dma_start3A_383 = arith.constant 0 : i32
        %dma_start3A_384 = tpu.memref_slice %arg3[%dma_start3A_382, %dma_start3A_383] : memref<100001x64xf32, #tpu.memory_space<hbm>> -> memref<100001x64xf32, #tpu.memory_space<hbm>>
        tpu.enqueue_indirect_dma source(%dma_start3A_384 : memref<100001x64xf32, #tpu.memory_space<hbm>>) target(%dma_start3A_378 : memref<100x64xf32, #tpu.memory_space<vmem>>) offsets(%dma_start3A_381 : memref<100xi32, #tpu.memory_space<vmem>>) semaphore(%arg18 : memref<!tpu.dma_semaphore, #tpu.memory_space<semaphore_mem>>)
      } else {
      }
    }
    %scan3A_266 = arith.constant 64 : i32
    %dma_wait3A = arith.constant 0 : i32
    %dma_wait3A_267 = arith.constant 0 : i32
    %dma_wait3A_268 = arith.constant 0 : i32
    %dma_wait3A_269 = tpu.memref_slice %arg7[%dma_wait3A, %dma_wait3A_267, %dma_wait3A_268] : memref<4096x208x128xf32, #tpu.memory_space<hbm>> -> memref<1x201x64xf32, #tpu.memory_space<hbm>>
    %dma_wait3A_270 = tpu.memref_squeeze %dma_wait3A_269 : memref<1x201x64xf32, #tpu.memory_space<hbm>> -> memref<201x64xf32, #tpu.memory_space<hbm>>
    %dma_wait3A_271 = arith.constant 0 : i32
    %dma_wait3A_272 = arith.constant 0 : i32
    %dma_wait3A_273 = tpu.memref_slice %arg7[%dma_wait3A, %dma_wait3A_271, %dma_wait3A_272] : memref<4096x208x128xf32, #tpu.memory_space<hbm>> -> memref<1x201x64xf32, #tpu.memory_space<hbm>>
    %dma_wait3A_274 = tpu.memref_squeeze %dma_wait3A_273 : memref<1x201x64xf32, #tpu.memory_space<hbm>> -> memref<201x64xf32, #tpu.memory_space<hbm>>
    tpu.wait_dma2 semaphore(%arg19 : memref<!tpu.dma_semaphore, #tpu.memory_space<semaphore_mem>>) src(%arg15 : memref<201x64xf32, #tpu.memory_space<vmem>>) dst(%dma_wait3A_274 : memref<201x64xf32, #tpu.memory_space<hbm>>)
    %dma_wait3A_275 = arith.constant 0 : i32
    %dma_wait3A_276 = arith.constant 0 : i32
    %dma_wait3A_277 = arith.constant 0 : i32
    %dma_wait3A_278 = tpu.memref_slice %arg7[%dma_wait3A_275, %dma_wait3A_276, %dma_wait3A_277] : memref<4096x208x128xf32, #tpu.memory_space<hbm>> -> memref<1x201x64xf32, #tpu.memory_space<hbm>>
    %dma_wait3A_279 = tpu.memref_squeeze %dma_wait3A_278 : memref<1x201x64xf32, #tpu.memory_space<hbm>> -> memref<201x64xf32, #tpu.memory_space<hbm>>
    %dma_wait3A_280 = arith.constant 0 : i32
    %dma_wait3A_281 = arith.constant 0 : i32
    %dma_wait3A_282 = tpu.memref_slice %arg7[%dma_wait3A_275, %dma_wait3A_280, %dma_wait3A_281] : memref<4096x208x128xf32, #tpu.memory_space<hbm>> -> memref<1x201x64xf32, #tpu.memory_space<hbm>>
    %dma_wait3A_283 = tpu.memref_squeeze %dma_wait3A_282 : memref<1x201x64xf32, #tpu.memory_space<hbm>> -> memref<201x64xf32, #tpu.memory_space<hbm>>
    tpu.wait_dma2 semaphore(%arg20 : memref<!tpu.dma_semaphore, #tpu.memory_space<semaphore_mem>>) src(%arg16 : memref<201x64xf32, #tpu.memory_space<vmem>>) dst(%dma_wait3A_283 : memref<201x64xf32, #tpu.memory_space<hbm>>)
    return
  }
}

</mosaic_0001>

<sc_bundles>
// kernel: _embed_ln.3.cloned.1.call-start
scs
__scs_entry_jumppad:
0x0: {  	(pc) =	sbr.rel $0x88, $3  }
0x1: {  	(tag) =	ssettag $0x0;
	lr =	simm.s32 $0x1  }
0x2: {  	[smem:$0x3F9C] =	sst lr;
	_ =	strace $0xD0000000  }
0x3: {  	_ = 	snop  }
0x4: {  	_ = 	snop  }
0x5: {  	_ = 	snop  }
0x6: {  	_ = 	snop  }
0x7: {  	_ = 	snop  }
__scs_overlays_trampoline_lowered:
0x8: {  	[smem:$0x3FAB] =	sst s0  }
0x9: {  	[smem:$0x3FAC] =	sst s1  }
0xa: {  	[smem:$0x3FAD] =	sst s2  }
0xb: {  	[smem:$0x3FAE] =	sst s3  }
0xc: {  	[smem:$0x3FAF] =	sst s4  }
0xd: {  	[smem:$0x3FB0] =	sst s5  }
0xe: {  	[smem:$0x3FB1] =	sst s6  }
0xf: {  	[smem:$0x3FB2] =	sst s7  }
0x10: {  	[smem:$0x3FB3] =	sst s8  }
0x11: {  	[smem:$0x3FB4] =	sst s9;
	s0 =	simm.s32 @!p0 $0x0  }
0x12: {  	s1 =	sld [smem:$0x3F9A];
	s0 =	simm.s32 @p0 $0x1  }
0x13: {  	[smem:$0x3FB5] =	sst s0;
	s0 =	simm.s32 @!p1 $0x0  }
0x14: {  	s2 =	sld [smem:$0x3F99];
	s0 =	simm.s32 @p1 $0x1  }
0x15: {  	[smem:$0x3FB6] =	sst s0;
	s0 =	simm.s32 @!p2 $0x0  }
0x16: {  	s3 =	sld [smem:$0x3FDB];
	s0 =	simm.s32 @p2 $0x1  }
0x17: {  	s4 =	simm.s32 $0x1BF5;
	[smem:$0x3FB8] =	sst s0  }
0x18: {  	s0 =	sld [smem:$0x3F9B];
	_ =	swait.ge [sflag:s4], $0x0  }
0x19: {  	s7 =	sld [smem:$0x3F9C]  }
0x1a: {  	s8 =	sadd.s32 $0xFFFFE003, lr  }
0x1b: {  	s9 =	sadd.s32 $0xFFFFFEF7, lr;
	s5 =	simm.s32 $0xFFFFFFFF;
	p2 =	slt.u32 s8, $0xFFFFF086  }
0x1c: {  	p1 =	slt.u32 s9, $0xF7A;
	s5 =	simm.s32 @!p2 $0x0  }
0x1d: {  	s5 =	simm.s32 @p1 $0x1;
	p0 =	seq.s32 s7, s2  }
0x1e: {  	s7 =	smul.u32 @!p0 $0xF7A, s2;
	p2 =	seq.s32 @!p0 s5, $0x0  }
0x1f: {  	s9 =	smul.u32 $0xF7A, s1;
	s8 =	simm.s32 @!p0 $0x1BF5;
	p2 =	por !p2, p0  }
0x20: {  	[sflag:s8] =	ssyncset.s32 @!p0 $0xFFFFF086;
	s6 =	sadd.s32 @!p0 s3, s7;
	s7 =	simm.s32 @!p0 $0x108  }
0x21: {  	s3 =	sadd.s32 s3, s9;
	s6 =	sadd.s32 @!p0 $0x88, s6;
	s7 =	simm.s32 @p2 $0x1082  }
0x22: {  	[simem:s7], [sflag:s8] =	dma.local @!p0 [hbm:s6], $0xF7A  }
0x23: {  	s9 =	sor.u32 $0xD0000000, s2;
	s6 =	simm.s32 $0x108;
	_ =	swait.ge @!p0 [sflag:s8], $0x0  }
0x24: {  	s3 =	sadd.s32 $0x88, s3;
	s6 =	simm.s32 @!p1 $0x1082;
	[sflag:s4] =	ssyncset.s32 $0xFFFFF086  }
0x25: {  	[simem:s6], [sflag:s4] =	dma.local [hbm:s3], $0xF7A  }
0x26: {  	[smem:$0x3F9C] =	sst s1;
	(tag) =	ssettag s2;
	_ =	strace s9  }
0x27: {  	s1 =	sld [smem:$0x3FAC]  }
0x28: {  	s2 =	sld [smem:$0x3FAD]  }
0x29: {  	s4 =	sld [smem:$0x3FAF]  }
0x2a: {  	p0 =	seq.s32 s5, $0x0;
	s5 =	sld [smem:$0x3FB0]  }
0x2b: {  	s6 =	sld [smem:$0x3FB1]  }
0x2c: {  	s7 =	sld [smem:$0x3FB2]  }
0x2d: {  	s3 =	simm.s32 $0x108;
	s8 =	sld [smem:$0x3FB3]  }
0x2e: {  	s3 =	simm.s32 @!p0 $0x1082;
	s9 =	sld [smem:$0x3FB4]  }
0x2f: {  	lr =	sadd.s32 s0, s3;
	s0 =	sld [smem:$0x3FAB]  }
0x30: {  	s3 =	sld [smem:$0x3FAE]  }
0x31: {  	[smem:$0x3FB7] =	sst s10  }
0x32: {  	s10 =	sld [smem:$0x3FB5];
	_ =	sdelay $0x3  }
0x33: {  	p0 =	seq.s32 s10, $0x1;
	s10 =	sld [smem:$0x3FB7];
	_ =	sdelay $0x3  }
0x34: {  	[smem:$0x3FB7] =	sst s10  }
0x35: {  	s10 =	sld [smem:$0x3FB6];
	_ =	sdelay $0x3  }
0x36: {  	p1 =	seq.s32 s10, $0x1;
	s10 =	sld [smem:$0x3FB7];
	_ =	sdelay $0x3  }
0x37: {  	[smem:$0x3FB7] =	sst s10  }
0x38: {  	s10 =	sld [smem:$0x3FB8]  }
0x39: {  	_ = 	snop;
	(pc) =	sbr.ind lr, $3  }
0x3a: {  	_ = 	snop  }
0x3b: {  	_ = 	snop  }
0x3c: {  	p2 =	seq.s32 s10, $0x1;
	s10 =	sld [smem:$0x3FB7]  }
0x3d: {  	_ =	shalt  }
0x3e: {  	_ =	shalt  }
0x3f: {  	_ =	shalt  }
0x40: {  	_ =	shalt  }
0x41: {  	_ =	shalt  }
0x42: {  	_ =	shalt  }
0x43: {  	_ =	shalt  }
0x44: {  	_ =	shalt  }
0x45: {  	_ =	shalt  }
0x46: {  	_ =	shalt  }
0x47: {  	_ =	shalt  }
0x48: {  	_ =	shalt  }
0x49: {  	_ =	shalt  }
0x4a: {  	_ =	shalt  }
0x4b: {  	_ =	shalt  }
0x4c: {  	_ =	shalt  }
0x4d: {  	_ =	shalt  }
0x4e: {  	_ =	shalt  }
0x4f: {  	_ =	shalt  }
0x50: {  	_ =	shalt  }
0x51: {  	_ =	shalt  }
0x52: {  	_ =	shalt  }
0x53: {  	_ =	shalt  }
0x54: {  	_ =	shalt  }
0x55: {  	_ =	shalt  }
0x56: {  	_ =	shalt  }
0x57: {  	_ =	shalt  }
0x58: {  	_ =	shalt  }
0x59: {  	_ =	shalt  }
0x5a: {  	_ =	shalt  }
0x5b: {  	_ =	shalt  }
0x5c: {  	_ =	shalt  }
0x5d: {  	_ =	shalt  }
0x5e: {  	_ =	shalt  }
0x5f: {  	_ =	shalt  }
0x60: {  	_ =	shalt  }
0x61: {  	_ =	shalt  }
0x62: {  	_ =	shalt  }
0x63: {  	_ =	shalt  }
0x64: {  	_ =	shalt  }
0x65: {  	_ =	shalt  }
0x66: {  	_ =	shalt  }
0x67: {  	_ =	shalt  }
0x68: {  	_ =	shalt  }
0x69: {  	_ =	shalt  }
0x6a: {  	_ =	shalt  }
0x6b: {  	_ =	shalt  }
0x6c: {  	_ =	shalt  }
0x6d: {  	_ =	shalt  }
0x6e: {  	_ =	shalt  }
0x6f: {  	_ =	shalt  }
0x70: {  	_ =	shalt  }
0x71: {  	_ =	shalt  }
0x72: {  	_ =	shalt  }
0x73: {  	_ =	shalt  }
0x74: {  	_ =	shalt  }
0x75: {  	_ =	shalt  }
0x76: {  	_ =	shalt  }
0x77: {  	_ =	shalt  }
0x78: {  	_ =	shalt  }
0x79: {  	_ =	shalt  }
0x7a: {  	_ =	shalt  }
0x7b: {  	_ =	shalt  }
0x7c: {  	_ =	shalt  }
0x7d: {  	_ =	shalt  }
0x7e: {  	_ =	shalt  }
0x7f: {  	_ =	shalt  }
0x80: {  	_ =	shalt  }
0x81: {  	_ =	shalt  }
0x82: {  	_ =	shalt  }
0x83: {  	_ =	shalt  }
0x84: {  	_ =	shalt  }
0x85: {  	_ =	shalt  }
0x86: {  	_ =	shalt  }
0x87: {  	_ =	shalt  }
.Lfunc_end0:
.L_simem_size_0:
called_computation_lowered:
.L_overlay_start_0:
0x88: {  	s2 =	sld [smem:$0x3FD9]  }
0x89: {  	s3 =	sld [smem:$0x3FFE];
	_ =	sdelay $0x1  }
0x8a: {  	s1 =	srdreg.scid  }
0x8b: {  	s0 =	sand.u32 $0x1, s1  }
0x8c: {  	s17 =	sshll.u32 s0, $0xA;
	s2 =	sadd.s32 s3, s2  }
0x8d: {  	s2 =	sadd.s32 s2, s17  }
0x8e: {  	[smem:$0x3FC3] =	sst s2  }
0x8f: {  	_ = 	snop  }
0x90: {  	s2 =	sld [smem:$0x3FC6]  }
0x91: {  	s18 =	sld [smem:$0x3FC5]  }
0x92: {  	s4 =	sld [smem:$0x3FD0];
	(tm) =	ssettm $0x1  }
0x93: {  	s5 =	sld [smem:$0x3FFB];
	_ =	sdelay $0x3  }
0x94: {  	_ =	strace s5  }
0x95: {  	s5 =	sld [smem:$0x3FFC];
	_ =	sdelay $0x3  }
0x96: {  	_ =	strace s5  }
0x97: {  	s5 =	sld [smem:$0x3FFD];
	_ =	sdelay $0x3  }
0x98: {  	_ =	strace s5  }
0x99: {  	_ =	strace $0x8FFFFFFF  }
0x9a: {  	s19 =	sld [smem:$0x3FDB];
	_ =	sdelay $0x1  }
0x9b: {  	s6 =	simm.s32 $_scs_section_size  }
0x9c: {  	s7 =	simm.s32 $_size__tile_overlayer_lowered;
	s8 =	simm.s32 $_tile_overlayer_lowered  }
0x9d: {  	s22 =	simm.s32 $0x1BFF;
	s21 =	sshll.u32 s8, $0x1;
	s5 =	sadd.s32 s6, s19  }
0x9e: {  	s9 =	simm.s32 $0x0;
	s20 =	sshll.u32 s7, $0x1;
	s7 =	sadd.s32 s21, s5  }
0x9f: {  	[timem:s9], [sflag:s22] =	dma.local [hbm:s7], s20  }
0xa0: {  	_ =	swait.ge [sflag:s22], s20  }
0xa1: {  	s6 =	ssub.s32 $0x0, s20;
	[sflag:s22] =	ssyncset.done $0x0  }
0xa2: {  	[sflag:s22] =	ssyncadd.s32 s6;
	_ =	sdelay $0x1  }
0xa3: {  	s23 =	simm.s32 $0x1B8B  }
0xa4: {  	_ =	swait.ge [sflag:s23], $0x1  }
0xa5: {  	[sflag:s23] =	ssyncset.done $0x0  }
0xa6: {  	s25 =	simm.s32 $0x1B8E;
	s24 =	sld [smem:$0x3FFE];
	[sflag:s23] =	ssyncadd.s32 $0xFFFFFFFF  }
0xa7: {  	s26 =	simm.s32 $execute0_lowered;
	[smem:$0x3FD2] =	sst s25  }
0xa8: {  	s7 =	sshll.u32 s26, $0x1;
	_ =	strace $0x80000046;
	[dreg:$0x1] =	wrdreg $0xFFFFFFFF  }
0xa9: {  	s28 =	simm.s32 $_size_execute0_lowered;
	s5 =	sadd.s32 s5, s7;
	[dreg:$0x0] =	wrdreg $0x0  }
0xaa: {  	s7 =	sshll.u32 s28, $0x1;
	[dreg:$0x2] =	wrdreg s5  }
0xab: {  	[dreg:$0x3] =	wrdreg s7  }
0xac: {  	[dreg:$0x4] =	wrdreg $0xC0  }
0xad: {  	_ =	task [dreg:s9], $0x5FFFF  }
0xae: {  	[dreg:$0x1] =	wrdreg $0xFFFFFFFF  }
0xaf: {  	[dreg:$0x0] =	wrdreg $0x60  }
0xb0: {  	[dreg:$0x2] =	wrdreg s24  }
0xb1: {  	[dreg:$0x3] =	wrdreg s2  }
0xb2: {  	[dreg:$0x4] =	wrdreg s18  }
0xb3: {  	[dreg:$0x5] =	wrdreg s4  }
0xb4: {  	[dreg:$0x6] =	wrdreg $0x9  }
0xb5: {  	_ =	task.clear_ibuf [dreg:s9], $0x7FFFF;
	_ =	strace $0x90000046  }
0xb6: {  	s29 =	simm.s32 $0x9;
	_ =	strace $0x80000048  }
0xb7: {  	_ =	swait.ge [sflag:s29], $0x1  }
0xb8: {  	[sflag:s29] =	ssyncadd.s32 $0xFFFFFFFF  }
0xb9: {  	_ =	strace $0x90000048  }
0xba: {  	_ =	sfence  }
0xbb: {  	s30 =	sld [smem:$0x0];
	_ =	sdelay $0x2  }
0xbc: {  	s31 =	sshll.u32 s1, $0xD;
	s1 =	sshrl.u32 s1, $0x2  }
0xbd: {  	s3 =	sand.u32 $0x4000, s31;
	s1 =	sadd.s32 s1, s30  }
0xbe: {  	s0 =	sor.u32 s3, s0;
	s1 =	sshll.u32 s1, $0x11  }
0xbf: {  	s0 =	sor.u32 s1, s0  }
0xc0: {  	s0 =	sadd.s32 $0x8F2B, s0  }
0xc1: {  	[sflag:s0] =	ssyncadd.remote.s32 $0x1  }
0xc2: {  	_ =	sfence.sel $0xFFFF  }
0xc3: {  	[dreg:$0x0] =	wrdreg $0xFFFFFFFF;
	(pc) =	sbr.abs _section_cstart, $3  }
0xc4: {  	[dreg:$0x1] =	wrdreg $0xFFFFFFFF  }
0xc5: {  	_ =	task.clear_ibuf [dreg:s9], $0x2FFFF;
	_ =	strace $0x9FFFFFFF  }
0xc6: {  	(tm) =	ssettm $0x7FFFFFFF  }
0xc7: {  	_ =	shalt  }
tec
execute0_lowered:
.L_overlay_start_1:
0x0: {  	(tag) =	ssettag $0x1  }
0x1: {  	s0 =	rddreg [dreg:$0x0]  }
0x2: {  	s4 =	rddreg [dreg:$0x3];
	v0 =	vimm.s32 $0xFEDCBA98;
	v1 =	vimm.s32 $0x76543210  }
0x3: {  	s1 =	srdreg.scid;
	s2 =	stileid.u32;
	s5 =	simm.s32 $0x0;
	v2 =	vimm.s32 $0xBA98FEDC;
	v3 =	vimm.s32 $0x32107654;
	v4 =	vimm.s32 $0xDCFE98BA  }
0x4: {  	v5 =	vimm.s32 $0x54761032;
	v6 =	vimm.s32 $0xEFCDAB89;
	s13 =	simm.s32 $0x5;
	s17 =	simm.s32 $0x64;
	s20 =	simm.s32 $0xB400  }
0x5: {  	v7 =	vimm.s32 $0x67452301;
	s21 =	simm.s32 $0xD0;
	s22 =	simm.s32 $0xCD00;
	s23 =	simm.s32 $0x138  }
0x6: {  	s24 =	simm.s32 $0xE600;
	s25 =	simm.s32 $0x1;
	s26 =	simm.s32 $0x40;
	v0 =	vunpack.c.l.s4.s8 v0;
	v1 =	vunpack.c.l.s4.s8 v1;
	v2 =	vunpack.c.l.s4.s8 v2  }
0x7: {  	s28 =	simm.s32 $0x80;
	s29 =	simm.s32 $0xFF00;
	s30 =	simm.s32 $0x2;
	v3 =	vunpack.c.l.s4.s8 v3;
	v4 =	vunpack.c.l.s4.s8 v4;
	v5 =	vunpack.c.l.s4.s8 v5  }
0x8: {  	s31 =	simm.s32 $0x13140;
	s1 =	sand.u32 $0x1, s1;
	s2 =	sshll.u32 s2, $0x1;
	v6 =	vunpack.c.l.s4.s8 v6;
	v7 =	vunpack.c.l.s4.s8 v7;
	v0 =	vunpack.c.0.s8.s32 v0  }
0x9: {  	[smem:$0x7FF] =	sst s5;
	s6 =	sadd.s32 $0x1AC00, s0;
	s7 =	sadd.s32 $0x400, s0;
	v2 =	vunpack.c.0.s8.s32 v2;
	v3 =	vunpack.c.0.s8.s32 v3;
	v4 =	vunpack.c.0.s8.s32 v4  }
.Ltmp0:
0xa: {  	s2 =	sor.u32 s1, s2;
	s1 =	ssub.s32 $0x2, s1;
	v5 =	vunpack.c.0.s8.s32 v5;
	v6 =	vunpack.c.0.s8.s32 v6;
	v7 =	vunpack.c.0.s8.s32 v7;
	(pc) =	sbr.rel .LBB2_1-.Ltmp0, $4  }
0xb: {  	s9 =	sadd.s32 $0xDE100, s0;
	s3 =	smul.u32 $0xD00, s2;
	s8 =	sshrl.u32 s1, $0x1;
	v1 =	vunpack.c.0.s8.s32 v1;
	v2 =	vcombine.low v3, v2  }
0xc: {  	_ =	strace $0x80000047;
	s11 =	sshll.u32 s2, $0x7;
	s1 =	ssub.s32 s1, s8;
	v3 =	vcombine.low v5, v4;
	v4 =	vcombine.low v7, v6;
	v0 =	vand.u32 $0xF, v0  }
0xd: {  	s2 =	simm.s32 $0x4;
	s3 =	sadd.s32 s3, s0;
	s12 =	smax.u32 s1, $0x1;
	v0 =	vcombine.low v0, v1  }
0xe: {  	s0 =	simm.s32 $0x3;
	s1 =	simm.s32 $0x0;
	s8 =	sadd.s32 $0xC00, s3;
	v1 =	vand.u32 $0xF, v2;
	v2 =	vand.u32 $0xF, v3;
	v3 =	vand.u32 $0xF, v4  }
.LBB2_8:
0xf: {  	s1 =	sadd.s32 $0x1, s1  }
0x10: {  	_ =	swait.ge [sflag:s0], $0x3240;
	p0 =	sne.s32 s1, s12  }
.Ltmp1:
0x11: {  	[sflag:s0] =	ssyncset.done $0x0;
	(pc) =	sbr.rel @!p0 .LBB2_9-.Ltmp1, $4  }
0x12: {  	[sflag:s0] =	ssyncadd.s32 $0xFFFFCDC0  }
0x13: {  	_ =	swait.ge [sflag:s2], $0x3240  }
0x14: {  	[sflag:s2] =	ssyncset.done $0x0  }
0x15: {  	[sflag:s2] =	ssyncadd.s32 $0xFFFFCDC0  }
.LBB2_1:
0x16: {  	s3 =	simm.s32 $0x6800  }
0x17: {  	[tilespmem:s3], [sflag:$0x5] =	stream.linear.gather [hbm4b:s7+s5], $0x3240, $0x38;
	[tilespmem:$0x16380] =	vst v63  }
0x18: {  	_ =	swait.ge [sflag:s13], $0x3240  }
0x19: {  	[sflag:s13] =	ssyncset.done $0x0  }
0x1a: {  	[sflag:s13] =	ssyncadd.s32 $0xFFFFCDC0  }
0x1b: {  	s10 =	simm.s32 $0x9A40;
	s19 =	rddreg [dreg:$0x1]  }
0x1c: {  	[tilespmem:s10], [sflag:$0x5] =	stream.linear.gather [hbm4b:s19+s5], $0x40, $0x38;
	[tilespmem:$0x16380] =	vst v63  }
0x1d: {  	_ =	swait.ge [sflag:s13], $0x40  }
0x1e: {  	[sflag:s13] =	ssyncset.done $0x0  }
0x1f: {  	[sflag:s13] =	ssyncadd.s32 $0xFFFFFFC0  }
0x20: {  	s15 =	simm.s32 $0x9A80;
	s14 =	rddreg [dreg:$0x2]  }
0x21: {  	[tilespmem:s15], [sflag:$0x5] =	stream.linear.gather [hbm4b:s14+s5], $0x40, $0x38;
	[tilespmem:$0x16380] =	vst v63  }
0x22: {  	_ =	swait.ge [sflag:s13], $0x40  }
0x23: {  	[sflag:s13] =	ssyncset.done $0x0  }
0x24: {  	[sflag:s13] =	ssyncadd.s32 $0xFFFFFFC0  }
0x25: {  	[tilespmem:s5], [sflag:$0x5] =	stream.linear.gather [hbm4b:s8+s5], $0x6800, $0x38;
	[tilespmem:$0x16380] =	vst v63  }
0x26: {  	_ =	swait.ge [sflag:s13], $0x6800  }
0x27: {  	[sflag:s13] =	ssyncset.done $0x0  }
0x28: {  	s16 =	simm.s32 $0x9AC0;
	[sflag:s13] =	ssyncadd.s32 $0xFFFF9800  }
0x29: {  	[tilespmem:s16], [sflag:$0x5] =	stream.linear.gather [hbm4b:s9+s5], $0x40, $0x38;
	[tilespmem:$0x16380] =	vst v63  }
0x2a: {  	_ =	swait.ge [sflag:s13], $0x40  }
0x2b: {  	[sflag:s13] =	ssyncset.done $0x0  }
0x2c: {  	[sflag:s13] =	ssyncadd.s32 $0xFFFFFFC0  }
0x2d: {  	v4 =	vld [tilespmem:$0x9AC0]  }
0x2e: {  	v5 =	vld [tilespmem:$0x9AD0]  }
0x2f: {  	v6 =	vld [tilespmem:$0x9AE0]  }
0x30: {  	v7 =	vld [tilespmem:$0x9AF0]  }
0x31: {  	v8 =	vld [tilespmem:$0x6800]  }
0x32: {  	v9 =	vld [tilespmem:$0x6810]  }
0x33: {  	v10 =	vld [tilespmem:$0x6820]  }
0x34: {  	v11 =	vld [tilespmem:$0x6830];
	_ =	sdelay $0x3  }
0x35: {  	v12 =	vadd.f32 v8, v4;
	v13 =	vadd.f32 v9, v5  }
0x36: {  	v14 =	vadd.f32 v10, v6;
	v15 =	vadd.f32 v11, v7  }
0x37: {  	v4 =	vadd.f32 v13, v12  }
0x38: {  	v5 =	vadd.f32 v15, v14;
	v6 =	vmul.f32 v12, v12;
	v7 =	vmul.f32 v13, v13  }
0x39: {  	v8 =	vmul.f32 v14, v14;
	v9 =	vmul.f32 v15, v15  }
0x3a: {  	v4 =	vadd.f32 v5, v4  }
0x3b: {  	v5 =	vadd.f32 v7, v6;
	v6 =	vadd.f32 v9, v8;
	_ =	sdelay $0x1  }
0x3c: {  	v5 =	vadd.f32 v6, v5;
	v6 =	vperm.xlane v4, v0;
	_ =	sdelay $0x1  }
0x3d: {  	v4 =	vadd.f32 v4, v6;
	v6 =	vperm.xlane v5, v0;
	_ =	sdelay $0x1  }
0x3e: {  	v7 =	vperm.xlane v4, v1;
	v5 =	vadd.f32 v6, v5;
	_ =	sdelay $0x1  }
0x3f: {  	v4 =	vadd.f32 v4, v7;
	v6 =	vperm.xlane v5, v1;
	_ =	sdelay $0x1  }
0x40: {  	v7 =	vperm.xlane v4, v2;
	v5 =	vadd.f32 v6, v5;
	_ =	sdelay $0x1  }
0x41: {  	v4 =	vadd.f32 v4, v7;
	v6 =	vperm.xlane v5, v2;
	_ =	sdelay $0x1  }
0x42: {  	v7 =	vperm.xlane v4, v3;
	v5 =	vadd.f32 v6, v5;
	_ =	sdelay $0x1  }
0x43: {  	v4 =	vadd.f32 v4, v7;
	v6 =	vperm.xlane v5, v3;
	_ =	sdelay $0x1  }
0x44: {  	v16 =	vmul.f32 $1.562500000e-02, v4;
	v4 =	vadd.f32 v6, v5;
	_ =	sdelay $0x1  }
0x45: {  	v4 =	vmul.f32 $1.562500000e-02, v4;
	v5 =	vmul.f32 v16, v16;
	_ =	sdelay $0x1  }
0x46: {  	v4 =	vsub.f32 v4, v5;
	_ =	sdelay $0x1  }
0x47: {  	v4 =	vmax.f32 v4, $0.0e+00  }
0x48: {  	v4 =	vadd.f32 $9.999999960e-13, v4;
	_ =	sdelay $0x1  }
0x49: {  	v5 =	vshra.s32 v4, $0x1;
	v4 =	vmul.f32 $-5.000000000e-01, v4  }
0x4a: {  	v7 =	vsub.s32 $0x5F3759DF, v5  }
0x4b: {  	v4 =	vmul.f32 v7, v4;
	_ =	sdelay $0x1  }
0x4c: {  	v6 =	vmul.f32 v7, v4  }
0x4d: {  	v4 =	vld [tilespmem:$0x9A40]  }
0x4e: {  	v8 =	vadd.f32 $1.500000000e+00, v6  }
0x4f: {  	v5 =	vld [tilespmem:$0x9A50]  }
0x50: {  	v6 =	vld [tilespmem:$0x9A60];
	v17 =	vmul.f32 v7, v8  }
0x51: {  	v7 =	vld [tilespmem:$0x9A80]  }
0x52: {  	v9 =	vld [tilespmem:$0x9A70];
	v10 =	vsub.f32 v12, v16;
	v11 =	vmul.f32 v17, v4  }
0x53: {  	v8 =	vld [tilespmem:$0x9A90]  }
0x54: {  	v57 =	vsub.f32 v13, v16;
	v58 =	vmul.f32 v17, v5;
	v11 =	vmul.f32 v11, v10  }
0x55: {  	v14 =	vsub.f32 v14, v16;
	v10 =	vld [tilespmem:$0x9AA0]  }
0x56: {  	v18 =	vmul.f32 v17, v6;
	v12 =	vmul.f32 v58, v57;
	v59 =	vadd.f32 v11, v7  }
0x57: {  	v15 =	vsub.f32 v15, v16;
	v11 =	vld [tilespmem:$0x9AB0]  }
0x58: {  	v60 =	vmul.f32 v17, v9;
	v14 =	vmul.f32 v18, v14;
	v12 =	vadd.f32 v12, v8;
	[tilespmem:$0xFF00] =	vst v59  }
0x59: {  	[tilespmem:$0x13140] =	vst v59  }
0x5a: {  	v62 =	vmul.f32 v60, v15;
	[tilespmem:$0xFF10] =	vst v12;
	v61 =	vadd.f32 v14, v10  }
0x5b: {  	[tilespmem:$0x13150] =	vst v12  }
0x5c: {  	v63 =	vadd.f32 v62, v11;
	[tilespmem:$0xFF20] =	vst v61  }
0x5d: {  	[tilespmem:$0x13160] =	vst v61  }
0x5e: {  	[tilespmem:$0xFF30] =	vst v63  }
0x5f: {  	s18 =	simm.s32 $0x9B00;
	[tilespmem:$0x13170] =	vst v63  }
0x60: {  	[tilespmem:s18], [sflag:$0x1] =	stream.indirect.gather [hbm4b:s6+s17], $0x40, s5, s17, $0xb8;
	[tilespmem:$0x16380] =	vst v63  }
0x61: {  	s19 =	simm.s32 $0x68  }
0x62: {  	[tilespmem:s20], [sflag:$0x1] =	stream.indirect.gather [hbm4b:s6+s17], $0x40, s19, s17, $0xb8;
	[tilespmem:$0x16380] =	vst v63  }
0x63: {  	_ = 	snop  }
0x64: {  	[tilespmem:s22], [sflag:$0x2] =	stream.indirect.gather [hbm4b:s6+s17], $0x40, s21, s17, $0xb8;
	[tilespmem:$0x16380] =	vst v63  }
0x65: {  	s3 =	simm.s32 $0x0  }
0x66: {  	[tilespmem:s24], [sflag:$0x2] =	stream.indirect.gather [hbm4b:s6+s17], $0x40, s23, s17, $0xb8;
	[tilespmem:$0x16380] =	vst v63  }
.LBB2_2:
0x67: {  	_ =	swait.ge [sflag:s25], $0x3200  }
0x68: {  	p0 =	seq.s32 s3, $0x0;
	[sflag:s25] =	ssyncset.done $0x0  }
0x69: {  	s10 =	simm.s32 @!p0 $0x3;
	[sflag:s25] =	ssyncadd.s32 $0xFFFFCE00  }
0x6a: {  	_ =	swait.ge @!p0 [sflag:s10], $0x3240  }
0x6b: {  	[sflag:s10] =	ssyncset.done @!p0 $0x0  }
0x6c: {  	s14 =	simm.s32 $0x0;
	[sflag:s10] =	ssyncadd.s32 @!p0 $0xFFFFCDC0  }
0x6d: {  	v12 =	vld [tilespmem:s14+$0x9B00]  }
0x6e: {  	v13 =	vld [tilespmem:s14+$0x9B10]  }
0x6f: {  	v14 =	vld [tilespmem:s14+$0x9B20]  }
0x70: {  	v15 =	vld [tilespmem:s14+$0x9B30]  }
0x71: {  	v16 =	vld [tilespmem:s14+$0x6840]  }
0x72: {  	v17 =	vld [tilespmem:s14+$0x6850]  }
0x73: {  	v18 =	vld [tilespmem:s14+$0x6860]  }
0x74: {  	v19 =	vld [tilespmem:s14+$0x6870];
	_ =	sdelay $0x3  }
0x75: {  	v16 =	vadd.f32 v16, v12;
	v13 =	vadd.f32 v17, v13  }
0x76: {  	v14 =	vadd.f32 v18, v14;
	v17 =	vadd.f32 v19, v15  }
0x77: {  	v12 =	vadd.f32 v13, v16  }
0x78: {  	v15 =	vadd.f32 v17, v14;
	v18 =	vmul.f32 v16, v16;
	v19 =	vmul.f32 v13, v13  }
0x79: {  	v20 =	vmul.f32 v14, v14;
	v21 =	vmul.f32 v17, v17  }
0x7a: {  	v12 =	vadd.f32 v15, v12  }
0x7b: {  	v15 =	vadd.f32 v19, v18;
	v18 =	vadd.f32 v21, v20  }
0x7c: {  	s15 =	simm.s32 $0x40  }
0x7d: {  	v22 =	vld [tilespmem:s15+$0x9B30];
	v15 =	vadd.f32 v18, v15;
	v18 =	vperm.xlane v12, v0  }
0x7e: {  	v24 =	vld [tilespmem:s15+$0x6850]  }
0x7f: {  	v25 =	vld [tilespmem:s15+$0x6860];
	v12 =	vadd.f32 v12, v18;
	v18 =	vperm.xlane v15, v0  }
0x80: {  	v19 =	vld [tilespmem:s15+$0x9B00]  }
0x81: {  	v20 =	vld [tilespmem:s15+$0x9B10];
	v23 =	vperm.xlane v12, v1;
	v15 =	vadd.f32 v18, v15  }
0x82: {  	v21 =	vld [tilespmem:s15+$0x9B20]  }
0x83: {  	v18 =	vld [tilespmem:s15+$0x6840];
	v12 =	vadd.f32 v12, v23;
	v23 =	vperm.xlane v15, v1  }
0x84: {  	v26 =	vld [tilespmem:s15+$0x6870]  }
0x85: {  	v27 =	vperm.xlane v12, v2;
	v15 =	vadd.f32 v23, v15;
	_ =	sdelay $0x1  }
0x86: {  	v21 =	vadd.f32 v25, v21;
	v23 =	vadd.f32 v12, v27;
	v12 =	vperm.xlane v15, v2  }
0x87: {  	v18 =	vadd.f32 v18, v19;
	v19 =	vadd.f32 v24, v20  }
0x88: {  	v20 =	vperm.xlane v23, v3;
	v15 =	vadd.f32 v12, v15;
	v12 =	vadd.f32 v26, v22  }
0x89: {  	v27 =	vmul.f32 v21, v21;
	v24 =	vmul.f32 v18, v18;
	v22 =	vadd.f32 v19, v18  }
0x8a: {  	v20 =	vadd.f32 v23, v20;
	v23 =	vperm.xlane v15, v3;
	v25 =	vadd.f32 v12, v21  }
0x8b: {  	v26 =	vmul.f32 v19, v19;
	v28 =	vmul.f32 v12, v12  }
0x8c: {  	v15 =	vadd.f32 v23, v15;
	v22 =	vadd.f32 v25, v22  }
0x8d: {  	v20 =	vmul.f32 $1.562500000e-02, v20;
	v23 =	vadd.f32 v26, v24;
	v24 =	vadd.f32 v28, v27  }
0x8e: {  	s16 =	simm.s32 $0x80;
	v15 =	vmul.f32 $1.562500000e-02, v15  }
0x8f: {  	v29 =	vld [tilespmem:s16+$0x6840];
	v25 =	vmul.f32 v20, v20;
	v23 =	vadd.f32 v24, v23;
	v24 =	vperm.xlane v22, v0  }
0x90: {  	v30 =	vld [tilespmem:s16+$0x6850]  }
0x91: {  	v33 =	vld [tilespmem:s16+$0x6870];
	v15 =	vsub.f32 v15, v25;
	v22 =	vadd.f32 v22, v24  }
0x92: {  	v26 =	vld [tilespmem:s16+$0x9B00];
	v24 =	vperm.xlane v23, v0  }
0x93: {  	v27 =	vld [tilespmem:s16+$0x9B10];
	v34 =	vsub.f32 v16, v20;
	v15 =	vmax.f32 v15, $0.0e+00;
	v31 =	vperm.xlane v22, v1  }
0x94: {  	v25 =	vld [tilespmem:s16+$0x9B20];
	v23 =	vadd.f32 v24, v23;
	v15 =	vadd.f32 $9.999999960e-13, v15  }
0x95: {  	v35 =	vsub.f32 v13, v20;
	v24 =	vld [tilespmem:s16+$0x6860];
	v22 =	vadd.f32 v22, v31  }
0x96: {  	v28 =	vld [tilespmem:s16+$0x9B30];
	v31 =	vperm.xlane v23, v1;
	v32 =	vshra.s32 v15, $0x1;
	v15 =	vmul.f32 $-5.000000000e-01, v15  }
0x97: {  	v36 =	vsub.f32 v14, v20;
	v32 =	vsub.s32 $0x5F3759DF, v32;
	v14 =	vperm.xlane v22, v2  }
0x98: {  	v16 =	vadd.f32 v29, v26;
	v23 =	vadd.f32 v31, v23;
	v13 =	vmul.f32 v32, v15  }
0x99: {  	v15 =	vadd.f32 v30, v27;
	v22 =	vadd.f32 v22, v14  }
0x9a: {  	v26 =	vmul.f32 v32, v13;
	v13 =	vadd.f32 v24, v25;
	v24 =	vperm.xlane v23, v2  }
0x9b: {  	v14 =	vadd.f32 v33, v28;
	v28 =	vmul.f32 v16, v16;
	v27 =	vperm.xlane v22, v3  }
0x9c: {  	v29 =	vmul.f32 v15, v15;
	v25 =	vadd.f32 $1.500000000e+00, v26;
	v23 =	vadd.f32 v24, v23  }
0x9d: {  	v60 =	vmul.f32 v14, v14;
	v26 =	vadd.f32 v15, v16;
	v22 =	vadd.f32 v22, v27  }
0x9e: {  	v24 =	vadd.f32 v14, v13;
	v25 =	vmul.f32 v32, v25;
	v27 =	vperm.xlane v23, v3  }
0x9f: {  	v17 =	vsub.f32 v17, v20;
	v30 =	vmul.f32 v13, v13;
	v20 =	vmul.f32 $1.562500000e-02, v22  }
0xa0: {  	v31 =	vmul.f32 v25, v9;
	v22 =	vadd.f32 v27, v23;
	v23 =	vadd.f32 v24, v26  }
0xa1: {  	v26 =	vadd.f32 v29, v28;
	v27 =	vadd.f32 v60, v30;
	v28 =	vmul.f32 v20, v20  }
0xa2: {  	v17 =	vmul.f32 v31, v17;
	v22 =	vmul.f32 $1.562500000e-02, v22  }
0xa3: {  	s18 =	simm.s32 $0xC0;
	v29 =	vmul.f32 v25, v4;
	v30 =	vmul.f32 v25, v5;
	v32 =	vadd.f32 v27, v26  }
0xa4: {  	v24 =	vld [tilespmem:s18+$0x9B00];
	v61 =	vperm.xlane v23, v0;
	v31 =	vadd.f32 v17, v11;
	v22 =	vsub.f32 v22, v28  }
0xa5: {  	v25 =	vmul.f32 v25, v6;
	v26 =	vld [tilespmem:s18+$0x9B10];
	v62 =	vperm.xlane v32, v0  }
0xa6: {  	v27 =	vld [tilespmem:s18+$0x9B20];
	v17 =	vsub.f32 v19, v20;
	v23 =	vadd.f32 v23, v61;
	v19 =	vmax.f32 v22, $0.0e+00;
	[tilespmem:s14+$0xFF70] =	vst v31  }
0xa7: {  	v35 =	vmul.f32 v30, v35;
	v32 =	vadd.f32 v62, v32;
	v22 =	vadd.f32 $9.999999960e-13, v19;
	v28 =	vld [tilespmem:s18+$0x9B30]  }
0xa8: {  	v19 =	vsub.f32 v21, v20;
	v21 =	vmul.f32 v29, v34;
	v29 =	vperm.xlane v23, v1;
	v30 =	vld [tilespmem:s18+$0x6840]  }
0xa9: {  	v37 =	vmul.f32 v25, v36;
	v33 =	vld [tilespmem:s18+$0x6850];
	v38 =	vperm.xlane v32, v1  }
0xaa: {  	v34 =	vld [tilespmem:s18+$0x6860];
	v63 =	vshra.s32 v22, $0x1;
	v22 =	vmul.f32 $-5.000000000e-01, v22;
	v31 =	vadd.f32 v23, v29  }
0xab: {  	v23 =	vadd.f32 v21, v7;
	v21 =	vadd.f32 v35, v8;
	v35 =	vld [tilespmem:s18+$0x6870];
	v25 =	vsub.s32 $0x5F3759DF, v63  }
0xac: {  	v18 =	vsub.f32 v18, v20;
	v29 =	vmul.f32 v25, v22  }
0xad: {  	s19 =	simm.s32 $0x400;
	s10 =	sshll.u32 s3, $0x1;
	v32 =	vadd.f32 v38, v32;
	v36 =	vperm.xlane v31, v2;
	v22 =	vadd.f32 v37, v10  }
.LBB2_3:
0xae: {  	p1 =	sne.s32 s19, $0xC700;
	v30 =	vadd.f32 v30, v24;
	v33 =	vadd.f32 v33, v26;
	v24 =	vmul.f32 v25, v29;
	[tilespmem:s14+$0xFF40] =	vst v23  }
0xaf: {  	v23 =	vadd.f32 v34, v27;
	v26 =	vadd.f32 v31, v36;
	v27 =	vperm.xlane v32, v2;
	[tilespmem:s14+$0xFF50] =	vst v21  }
0xb0: {  	v21 =	vadd.f32 v35, v28;
	v24 =	vadd.f32 $1.500000000e+00, v24;
	[tilespmem:s14+$0xFF60] =	vst v22;
	s14 =	smov.u32 s15;
	s15 =	smov.u32 s16;
	s16 =	smov.u32 s18  }
0xb1: {  	v22 =	vadd.f32 v33, v30;
	v28 =	vperm.xlane v26, v3;
	v27 =	vadd.f32 v27, v32  }
0xb2: {  	v31 =	vmul.f32 v30, v30;
	v29 =	vadd.f32 v21, v23;
	v25 =	vmul.f32 v25, v24  }
0xb3: {  	v24 =	vmul.f32 v33, v33;
	v26 =	vadd.f32 v26, v28;
	v28 =	vperm.xlane v27, v3  }
0xb4: {  	v34 =	vsub.f32 v12, v20;
	v12 =	vmovc v14;
	v32 =	vmul.f32 v23, v23;
	v35 =	vmul.f32 v25, v9  }
0xb5: {  	v36 =	vmul.f32 v21, v21;
	v14 =	vmovc v21;
	v20 =	vmul.f32 $1.562500000e-02, v26;
	v26 =	vadd.f32 v28, v27  }
0xb6: {  	v21 =	vadd.f32 v29, v22;
	v22 =	vadd.f32 v24, v31;
	v27 =	vmul.f32 v35, v34  }
0xb7: {  	s18 =	sshra.s32 s19, $0x2;
	v28 =	vadd.f32 v36, v32;
	v29 =	vmul.f32 $1.562500000e-02, v26;
	v31 =	vmul.f32 v20, v20  }
0xb8: {  	v32 =	vmul.f32 v25, v4;
	v34 =	vmul.f32 v25, v5;
	v24 =	vld [tilespmem:s18+$0x9B00];
	v35 =	vadd.f32 v27, v11  }
0xb9: {  	v36 =	vperm.xlane v21, v0;
	v22 =	vadd.f32 v28, v22;
	v26 =	vld [tilespmem:s18+$0x9B10];
	v29 =	vsub.f32 v29, v31  }
0xba: {  	v25 =	vmul.f32 v25, v6;
	v37 =	vsub.f32 v15, v20;
	v31 =	vsub.f32 v16, v20;
	v27 =	vld [tilespmem:s18+$0x9B20];
	[tilespmem:s14+$0xFF70] =	vst v35  }
0xbb: {  	v15 =	vmovc v33;
	v21 =	vadd.f32 v21, v36;
	v16 =	vmovc v30;
	v35 =	vperm.xlane v22, v0;
	v28 =	vld [tilespmem:s18+$0x9B30];
	v29 =	vmax.f32 v29, $0.0e+00  }
0xbc: {  	v32 =	vmul.f32 v32, v18;
	v36 =	vsub.f32 v13, v20;
	v13 =	vmovc v23;
	v18 =	vmovc v31;
	v30 =	vld [tilespmem:s18+$0x6840];
	v29 =	vadd.f32 $9.999999960e-13, v29  }
.Ltmp2:
0xbd: {  	v38 =	vmul.f32 v34, v17;
	v17 =	vmovc v37;
	v23 =	vperm.xlane v21, v1;
	v22 =	vadd.f32 v35, v22;
	v33 =	vld [tilespmem:s18+$0x6850];
	(pc) =	sbr.rel @p1 .LBB2_3-.Ltmp2, $4  }
0xbe: {  	v39 =	vmul.f32 v25, v19;
	v19 =	vmovc v36;
	v34 =	vld [tilespmem:s18+$0x6860];
	v37 =	vshra.s32 v29, $0x1;
	v29 =	vmul.f32 $-5.000000000e-01, v29  }
0xbf: {  	v31 =	vadd.f32 v21, v23;
	v40 =	vperm.xlane v22, v1;
	v35 =	vld [tilespmem:s18+$0x6870];
	v25 =	vsub.s32 $0x5F3759DF, v37  }
0xc0: {  	v23 =	vadd.f32 v32, v7;
	v21 =	vadd.f32 v38, v8;
	v29 =	vmul.f32 v25, v29  }
0xc1: {  	s19 =	sadd.s32 $0x100, s19;
	v36 =	vperm.xlane v31, v2;
	v32 =	vadd.f32 v40, v22;
	v22 =	vadd.f32 v39, v10  }
0xc2: {  	_ = 	snop  }
0xc3: {  	v24 =	vadd.f32 v30, v24;
	v26 =	vadd.f32 v33, v26  }
0xc4: {  	v27 =	vadd.f32 v34, v27;
	v28 =	vadd.f32 v35, v28  }
0xc5: {  	v30 =	vadd.f32 v26, v24;
	v55 =	vmul.f32 v24, v24;
	v56 =	vmul.f32 v26, v26  }
0xc6: {  	v37 =	vmul.f32 v27, v27;
	v54 =	vadd.f32 v28, v27;
	v38 =	vmul.f32 v28, v28  }
0xc7: {  	v57 =	vadd.f32 v56, v55  }
0xc8: {  	v30 =	vadd.f32 v54, v30;
	v58 =	vadd.f32 v38, v37;
	_ =	sdelay $0x1  }
0xc9: {  	v33 =	vadd.f32 v58, v57;
	v59 =	vperm.xlane v30, v0  }
0xca: {  	v60 =	vperm.xlane v32, v2  }
0xcb: {  	v31 =	vadd.f32 v31, v36;
	v30 =	vadd.f32 v30, v59;
	v61 =	vperm.xlane v33, v0  }
0xcc: {  	v32 =	vadd.f32 v60, v32  }
0xcd: {  	v62 =	vperm.xlane v31, v3;
	v63 =	vperm.xlane v30, v1;
	v33 =	vadd.f32 v61, v33  }
0xce: {  	v40 =	vperm.xlane v32, v3  }
0xcf: {  	v31 =	vadd.f32 v31, v62;
	v30 =	vadd.f32 v30, v63;
	v41 =	vperm.xlane v33, v1  }
0xd0: {  	v32 =	vadd.f32 v40, v32  }
0xd1: {  	v31 =	vmul.f32 $1.562500000e-02, v31;
	v42 =	vperm.xlane v30, v2;
	v33 =	vadd.f32 v41, v33  }
0xd2: {  	v32 =	vmul.f32 $1.562500000e-02, v32  }
0xd3: {  	v43 =	vmul.f32 v31, v31;
	v30 =	vadd.f32 v30, v42;
	v44 =	vperm.xlane v33, v2;
	_ =	sdelay $0x1  }
0xd4: {  	v32 =	vsub.f32 v32, v43;
	v45 =	vperm.xlane v30, v3;
	v33 =	vadd.f32 v44, v33  }
0xd5: {  	v29 =	vmul.f32 v25, v29  }
0xd6: {  	v32 =	vmax.f32 v32, $0.0e+00;
	v30 =	vadd.f32 v30, v45;
	v34 =	vperm.xlane v33, v3  }
0xd7: {  	v29 =	vadd.f32 $1.500000000e+00, v29;
	v32 =	vadd.f32 $9.999999960e-13, v32  }
0xd8: {  	v30 =	vmul.f32 $1.562500000e-02, v30;
	v33 =	vadd.f32 v34, v33  }
0xd9: {  	v25 =	vmul.f32 v25, v29;
	v29 =	vmul.f32 $-5.000000000e-01, v32  }
0xda: {  	v32 =	vshra.s32 v32, $0x1;
	v33 =	vmul.f32 $1.562500000e-02, v33;
	v46 =	vmul.f32 v30, v30  }
0xdb: {  	v12 =	vsub.f32 v12, v20;
	v20 =	vsub.s32 $0x5F3759DF, v32  }
0xdc: {  	v29 =	vmul.f32 v20, v29;
	v33 =	vsub.f32 v33, v46;
	_ =	sdelay $0x1  }
0xdd: {  	v29 =	vmul.f32 v20, v29;
	v48 =	vmax.f32 v33, $0.0e+00  }
0xde: {  	v47 =	vmul.f32 v25, v9;
	v49 =	vmul.f32 v25, v4;
	v32 =	vadd.f32 $9.999999960e-13, v48  }
0xdf: {  	v50 =	vmul.f32 v25, v5;
	v25 =	vmul.f32 v25, v6;
	v29 =	vadd.f32 $1.500000000e+00, v29  }
0xe0: {  	v12 =	vmul.f32 v47, v12;
	v51 =	vshra.s32 v32, $0x1;
	v32 =	vmul.f32 $-5.000000000e-01, v32  }
0xe1: {  	v18 =	vmul.f32 v49, v18;
	v20 =	vmul.f32 v20, v29;
	v29 =	vsub.s32 $0x5F3759DF, v51  }
0xe2: {  	v17 =	vmul.f32 v50, v17;
	v16 =	vsub.f32 v16, v31;
	v32 =	vmul.f32 v29, v32  }
0xe3: {  	v19 =	vmul.f32 v25, v19;
	v15 =	vsub.f32 v15, v31;
	v14 =	vsub.f32 v14, v31  }
0xe4: {  	[tilespmem:s14+$0xFF40] =	vst v23;
	v13 =	vsub.f32 v13, v31;
	v12 =	vadd.f32 v12, v11;
	v25 =	vmul.f32 v29, v32  }
0xe5: {  	[tilespmem:s14+$0xFF50] =	vst v21;
	v18 =	vadd.f32 v18, v7;
	v17 =	vadd.f32 v17, v8;
	v52 =	vmul.f32 v20, v9  }
0xe6: {  	[tilespmem:s14+$0xFF60] =	vst v22;
	v22 =	vmul.f32 v20, v4;
	v23 =	vmul.f32 v20, v5;
	v21 =	vadd.f32 $1.500000000e+00, v25  }
0xe7: {  	v19 =	vadd.f32 v19, v10;
	[tilespmem:s15+$0xFF40] =	vst v18;
	v18 =	vmul.f32 v20, v6;
	v14 =	vmul.f32 v52, v14  }
0xe8: {  	[tilespmem:s15+$0xFF70] =	vst v12;
	v12 =	vsub.f32 v24, v30;
	v16 =	vmul.f32 v22, v16;
	v21 =	vmul.f32 v29, v21  }
0xe9: {  	[tilespmem:s15+$0xFF50] =	vst v17;
	v17 =	vsub.f32 v28, v30;
	v13 =	vmul.f32 v18, v13;
	v14 =	vadd.f32 v14, v11  }
0xea: {  	[tilespmem:s15+$0xFF60] =	vst v19;
	v15 =	vmul.f32 v23, v15;
	v16 =	vadd.f32 v16, v7;
	v22 =	vmul.f32 v21, v9  }
0xeb: {  	v20 =	vsub.f32 v27, v30;
	v13 =	vadd.f32 v13, v10;
	[tilespmem:s16+$0xFF70] =	vst v14;
	v18 =	vmul.f32 v21, v4  }
0xec: {  	v14 =	vadd.f32 v15, v8;
	[tilespmem:s16+$0xFF40] =	vst v16;
	v16 =	vmul.f32 v21, v6;
	v15 =	vmul.f32 v22, v17  }
0xed: {  	v24 =	vsub.f32 v26, v30;
	[tilespmem:s16+$0xFF60] =	vst v13;
	v17 =	vmul.f32 v21, v5;
	v12 =	vmul.f32 v18, v12  }
0xee: {  	[tilespmem:s16+$0xFF50] =	vst v14;
	v13 =	vmul.f32 v16, v20;
	v14 =	vadd.f32 v15, v11  }
0xef: {  	v15 =	vmul.f32 v17, v24;
	v12 =	vadd.f32 v12, v7  }
0xf0: {  	s19 =	sadd.s32 s11, s10;
	v13 =	vadd.f32 v13, v10;
	[tilespmem:s18+$0xFF70] =	vst v14  }
0xf1: {  	s14 =	smul.u32 $0xD00, s19;
	v14 =	vadd.f32 v15, v8;
	[tilespmem:s18+$0xFF40] =	vst v12  }
0xf2: {  	p1 =	seq.s32 s3, $0x3F;
	[tilespmem:s18+$0xFF60] =	vst v13  }
0xf3: {  	s14 =	sadd.s32 s4, s14;
	s15 =	smul.u32 @!p1 $0x680, s3;
	[tilespmem:s18+$0xFF50] =	vst v14  }
0xf4: {  	[hbm4b:s14+s26] =	stream.strided.scatter [tilespmem:s29], [sflag:$0x3], $0x3240, s28, s26, $0x38;
	[tilespmem:$0x16380] =	vst v63  }
0xf5: {  	s14 =	sshra.s32 @!p1 s15, $0x2  }
0xf6: {  	s16 =	simm.s32 @!p1 $0x64;
	s18 =	simm.s32 @!p1 $0x9B00;
	s15 =	sadd.s32 @!p1 $0x1A0, s14  }
0xf7: {  	[tilespmem:s18], [sflag:$0x1] =	stream.indirect.gather @!p1 [hbm4b:s6+s16], $0x40, s15, s16, $0xb8;
	[tilespmem:$0x16380] =	vst v63  }
0xf8: {  	s14 =	sadd.s32 @!p1 $0x208, s14;
	s15 =	simm.s32 @!p1 $0xB400  }
0xf9: {  	[tilespmem:s15], [sflag:$0x1] =	stream.indirect.gather @!p1 [hbm4b:s6+s16], $0x40, s14, s16, $0xb8;
	[tilespmem:$0x16380] =	vst v63  }
0xfa: {  	_ =	swait.ge [sflag:s30], $0x3200  }
0xfb: {  	[sflag:s30] =	ssyncset.done $0x0  }
0xfc: {  	s14 =	simm.s32 @!p0 $0x4;
	[sflag:s30] =	ssyncadd.s32 $0xFFFFCE00  }
0xfd: {  	_ =	swait.ge @!p0 [sflag:s14], $0x3240  }
0xfe: {  	[sflag:s14] =	ssyncset.done @!p0 $0x0  }
0xff: {  	[sflag:s14] =	ssyncadd.s32 @!p0 $0xFFFFCDC0;
	s14 =	simm.s32 $0x0  }
0x100: {  	v12 =	vld [tilespmem:s14+$0xCD00]  }
0x101: {  	v13 =	vld [tilespmem:s14+$0xCD10]  }
0x102: {  	v14 =	vld [tilespmem:s14+$0xCD20]  }
0x103: {  	v15 =	vld [tilespmem:s14+$0xCD30]  }
0x104: {  	v16 =	vld [tilespmem:s14+$0x6840]  }
0x105: {  	v17 =	vld [tilespmem:s14+$0x6850]  }
0x106: {  	v18 =	vld [tilespmem:s14+$0x6860]  }
0x107: {  	v19 =	vld [tilespmem:s14+$0x6870];
	_ =	sdelay $0x3  }
0x108: {  	v16 =	vadd.f32 v16, v12;
	v13 =	vadd.f32 v17, v13  }
0x109: {  	v14 =	vadd.f32 v18, v14;
	v17 =	vadd.f32 v19, v15  }
0x10a: {  	v12 =	vadd.f32 v13, v16  }
0x10b: {  	v15 =	vadd.f32 v17, v14;
	v18 =	vmul.f32 v16, v16;
	v19 =	vmul.f32 v13, v13  }
0x10c: {  	v20 =	vmul.f32 v14, v14;
	v21 =	vmul.f32 v17, v17  }
0x10d: {  	v12 =	vadd.f32 v15, v12  }
0x10e: {  	v15 =	vadd.f32 v19, v18;
	v18 =	vadd.f32 v21, v20  }
0x10f: {  	s15 =	simm.s32 $0x40  }
0x110: {  	v22 =	vld [tilespmem:s15+$0xCD30];
	v15 =	vadd.f32 v18, v15;
	v18 =	vperm.xlane v12, v0  }
0x111: {  	v24 =	vld [tilespmem:s15+$0x6850]  }
0x112: {  	v25 =	vld [tilespmem:s15+$0x6860];
	v12 =	vadd.f32 v12, v18;
	v18 =	vperm.xlane v15, v0  }
0x113: {  	v19 =	vld [tilespmem:s15+$0xCD00]  }
0x114: {  	v20 =	vld [tilespmem:s15+$0xCD10];
	v23 =	vperm.xlane v12, v1;
	v15 =	vadd.f32 v18, v15  }
0x115: {  	v21 =	vld [tilespmem:s15+$0xCD20]  }
0x116: {  	v18 =	vld [tilespmem:s15+$0x6840];
	v12 =	vadd.f32 v12, v23;
	v23 =	vperm.xlane v15, v1  }
0x117: {  	v26 =	vld [tilespmem:s15+$0x6870]  }
0x118: {  	v27 =	vperm.xlane v12, v2;
	v15 =	vadd.f32 v23, v15;
	_ =	sdelay $0x1  }
0x119: {  	v21 =	vadd.f32 v25, v21;
	v23 =	vadd.f32 v12, v27;
	v12 =	vperm.xlane v15, v2  }
0x11a: {  	v18 =	vadd.f32 v18, v19;
	v19 =	vadd.f32 v24, v20  }
0x11b: {  	v20 =	vperm.xlane v23, v3;
	v15 =	vadd.f32 v12, v15;
	v12 =	vadd.f32 v26, v22  }
0x11c: {  	v27 =	vmul.f32 v21, v21;
	v24 =	vmul.f32 v18, v18;
	v22 =	vadd.f32 v19, v18  }
0x11d: {  	v20 =	vadd.f32 v23, v20;
	v23 =	vperm.xlane v15, v3;
	v25 =	vadd.f32 v12, v21  }
0x11e: {  	v26 =	vmul.f32 v19, v19;
	v28 =	vmul.f32 v12, v12  }
0x11f: {  	v15 =	vadd.f32 v23, v15;
	v22 =	vadd.f32 v25, v22  }
0x120: {  	v20 =	vmul.f32 $1.562500000e-02, v20;
	v23 =	vadd.f32 v26, v24;
	v24 =	vadd.f32 v28, v27  }
0x121: {  	s16 =	simm.s32 $0x80;
	v15 =	vmul.f32 $1.562500000e-02, v15  }
0x122: {  	v29 =	vld [tilespmem:s16+$0x6840];
	v25 =	vmul.f32 v20, v20;
	v23 =	vadd.f32 v24, v23;
	v24 =	vperm.xlane v22, v0  }
0x123: {  	v30 =	vld [tilespmem:s16+$0x6850]  }
0x124: {  	v54 =	vld [tilespmem:s16+$0x6870];
	v15 =	vsub.f32 v15, v25;
	v22 =	vadd.f32 v22, v24  }
0x125: {  	v26 =	vld [tilespmem:s16+$0xCD00];
	v24 =	vperm.xlane v23, v0  }
0x126: {  	v27 =	vld [tilespmem:s16+$0xCD10];
	v55 =	vsub.f32 v16, v20;
	v15 =	vmax.f32 v15, $0.0e+00;
	v31 =	vperm.xlane v22, v1  }
0x127: {  	v25 =	vld [tilespmem:s16+$0xCD20];
	v23 =	vadd.f32 v24, v23;
	v15 =	vadd.f32 $9.999999960e-13, v15  }
0x128: {  	v56 =	vsub.f32 v13, v20;
	v24 =	vld [tilespmem:s16+$0x6860];
	v22 =	vadd.f32 v22, v31  }
0x129: {  	v28 =	vld [tilespmem:s16+$0xCD30];
	v31 =	vperm.xlane v23, v1;
	v53 =	vshra.s32 v15, $0x1;
	v15 =	vmul.f32 $-5.000000000e-01, v15  }
0x12a: {  	v57 =	vsub.f32 v14, v20;
	v32 =	vsub.s32 $0x5F3759DF, v53;
	v14 =	vperm.xlane v22, v2  }
0x12b: {  	v16 =	vadd.f32 v29, v26;
	v23 =	vadd.f32 v31, v23;
	v13 =	vmul.f32 v32, v15  }
0x12c: {  	v15 =	vadd.f32 v30, v27;
	v22 =	vadd.f32 v22, v14  }
0x12d: {  	v26 =	vmul.f32 v32, v13;
	v13 =	vadd.f32 v24, v25;
	v24 =	vperm.xlane v23, v2  }
0x12e: {  	v14 =	vadd.f32 v54, v28;
	v28 =	vmul.f32 v16, v16;
	v27 =	vperm.xlane v22, v3  }
0x12f: {  	v29 =	vmul.f32 v15, v15;
	v25 =	vadd.f32 $1.500000000e+00, v26;
	v23 =	vadd.f32 v24, v23  }
0x130: {  	v58 =	vmul.f32 v14, v14;
	v26 =	vadd.f32 v15, v16;
	v22 =	vadd.f32 v22, v27  }
0x131: {  	v24 =	vadd.f32 v14, v13;
	v25 =	vmul.f32 v32, v25;
	v27 =	vperm.xlane v23, v3  }
0x132: {  	v17 =	vsub.f32 v17, v20;
	v30 =	vmul.f32 v13, v13;
	v20 =	vmul.f32 $1.562500000e-02, v22  }
0x133: {  	v31 =	vmul.f32 v25, v9;
	v22 =	vadd.f32 v27, v23;
	v23 =	vadd.f32 v24, v26  }
0x134: {  	v26 =	vadd.f32 v29, v28;
	v27 =	vadd.f32 v58, v30;
	v28 =	vmul.f32 v20, v20  }
0x135: {  	v17 =	vmul.f32 v31, v17;
	v22 =	vmul.f32 $1.562500000e-02, v22  }
0x136: {  	s18 =	simm.s32 $0xC0;
	v29 =	vmul.f32 v25, v4;
	v30 =	vmul.f32 v25, v5;
	v32 =	vadd.f32 v27, v26  }
0x137: {  	v24 =	vld [tilespmem:s18+$0xCD00];
	v59 =	vperm.xlane v23, v0;
	v31 =	vadd.f32 v17, v11;
	v22 =	vsub.f32 v22, v28  }
0x138: {  	v25 =	vmul.f32 v25, v6;
	v26 =	vld [tilespmem:s18+$0xCD10];
	v60 =	vperm.xlane v32, v0  }
0x139: {  	v27 =	vld [tilespmem:s18+$0xCD20];
	v17 =	vsub.f32 v19, v20;
	v23 =	vadd.f32 v23, v59;
	v19 =	vmax.f32 v22, $0.0e+00;
	[tilespmem:s14+$0x131B0] =	vst v31  }
0x13a: {  	v35 =	vmul.f32 v30, v56;
	v32 =	vadd.f32 v60, v32;
	v22 =	vadd.f32 $9.999999960e-13, v19;
	v28 =	vld [tilespmem:s18+$0xCD30]  }
0x13b: {  	v19 =	vsub.f32 v21, v20;
	v21 =	vmul.f32 v29, v55;
	v29 =	vperm.xlane v23, v1;
	v30 =	vld [tilespmem:s18+$0x6840]  }
0x13c: {  	v62 =	vmul.f32 v25, v57;
	v33 =	vld [tilespmem:s18+$0x6850];
	v63 =	vperm.xlane v32, v1  }
0x13d: {  	v34 =	vld [tilespmem:s18+$0x6860];
	v61 =	vshra.s32 v22, $0x1;
	v22 =	vmul.f32 $-5.000000000e-01, v22;
	v31 =	vadd.f32 v23, v29  }
0x13e: {  	v23 =	vadd.f32 v21, v7;
	v21 =	vadd.f32 v35, v8;
	v35 =	vld [tilespmem:s18+$0x6870];
	v25 =	vsub.s32 $0x5F3759DF, v61  }
0x13f: {  	v18 =	vsub.f32 v18, v20;
	v29 =	vmul.f32 v25, v22  }
0x140: {  	s10 =	sor.u32 $0x1, s10;
	s19 =	simm.s32 $0x400;
	v32 =	vadd.f32 v63, v32;
	v36 =	vperm.xlane v31, v2;
	v22 =	vadd.f32 v62, v10  }
.LBB2_5:
0x141: {  	p0 =	sne.s32 s19, $0xC700;
	v30 =	vadd.f32 v30, v24;
	v33 =	vadd.f32 v33, v26;
	v24 =	vmul.f32 v25, v29;
	[tilespmem:s14+$0x13180] =	vst v23  }
0x142: {  	v23 =	vadd.f32 v34, v27;
	v26 =	vadd.f32 v31, v36;
	v27 =	vperm.xlane v32, v2;
	[tilespmem:s14+$0x13190] =	vst v21  }
0x143: {  	v21 =	vadd.f32 v35, v28;
	v24 =	vadd.f32 $1.500000000e+00, v24;
	[tilespmem:s14+$0x131A0] =	vst v22;
	s14 =	smov.u32 s15;
	s15 =	smov.u32 s16;
	s16 =	smov.u32 s18  }
0x144: {  	v22 =	vadd.f32 v33, v30;
	v28 =	vperm.xlane v26, v3;
	v27 =	vadd.f32 v27, v32  }
0x145: {  	v31 =	vmul.f32 v30, v30;
	v29 =	vadd.f32 v21, v23;
	v25 =	vmul.f32 v25, v24  }
0x146: {  	v24 =	vmul.f32 v33, v33;
	v26 =	vadd.f32 v26, v28;
	v28 =	vperm.xlane v27, v3  }
0x147: {  	v34 =	vsub.f32 v12, v20;
	v12 =	vmovc v14;
	v32 =	vmul.f32 v23, v23;
	v35 =	vmul.f32 v25, v9  }
0x148: {  	v36 =	vmul.f32 v21, v21;
	v14 =	vmovc v21;
	v20 =	vmul.f32 $1.562500000e-02, v26;
	v26 =	vadd.f32 v28, v27  }
0x149: {  	v21 =	vadd.f32 v29, v22;
	v22 =	vadd.f32 v24, v31;
	v27 =	vmul.f32 v35, v34  }
0x14a: {  	s18 =	sshra.s32 s19, $0x2;
	v28 =	vadd.f32 v36, v32;
	v29 =	vmul.f32 $1.562500000e-02, v26;
	v31 =	vmul.f32 v20, v20  }
0x14b: {  	v32 =	vmul.f32 v25, v4;
	v34 =	vmul.f32 v25, v5;
	v24 =	vld [tilespmem:s18+$0xCD00];
	v35 =	vadd.f32 v27, v11  }
0x14c: {  	v36 =	vperm.xlane v21, v0;
	v22 =	vadd.f32 v28, v22;
	v26 =	vld [tilespmem:s18+$0xCD10];
	v29 =	vsub.f32 v29, v31  }
0x14d: {  	v25 =	vmul.f32 v25, v6;
	v37 =	vsub.f32 v15, v20;
	v31 =	vsub.f32 v16, v20;
	v27 =	vld [tilespmem:s18+$0xCD20];
	[tilespmem:s14+$0x131B0] =	vst v35  }
0x14e: {  	v15 =	vmovc v33;
	v21 =	vadd.f32 v21, v36;
	v16 =	vmovc v30;
	v35 =	vperm.xlane v22, v0;
	v28 =	vld [tilespmem:s18+$0xCD30];
	v29 =	vmax.f32 v29, $0.0e+00  }
0x14f: {  	v32 =	vmul.f32 v32, v18;
	v36 =	vsub.f32 v13, v20;
	v13 =	vmovc v23;
	v18 =	vmovc v31;
	v30 =	vld [tilespmem:s18+$0x6840];
	v29 =	vadd.f32 $9.999999960e-13, v29  }
.Ltmp3:
0x150: {  	v38 =	vmul.f32 v34, v17;
	v17 =	vmovc v37;
	v23 =	vperm.xlane v21, v1;
	v22 =	vadd.f32 v35, v22;
	v33 =	vld [tilespmem:s18+$0x6850];
	(pc) =	sbr.rel @p0 .LBB2_5-.Ltmp3, $4  }
0x151: {  	v39 =	vmul.f32 v25, v19;
	v19 =	vmovc v36;
	v34 =	vld [tilespmem:s18+$0x6860];
	v37 =	vshra.s32 v29, $0x1;
	v29 =	vmul.f32 $-5.000000000e-01, v29  }
0x152: {  	v31 =	vadd.f32 v21, v23;
	v40 =	vperm.xlane v22, v1;
	v35 =	vld [tilespmem:s18+$0x6870];
	v25 =	vsub.s32 $0x5F3759DF, v37  }
0x153: {  	v23 =	vadd.f32 v32, v7;
	v21 =	vadd.f32 v38, v8;
	v29 =	vmul.f32 v25, v29  }
0x154: {  	s19 =	sadd.s32 $0x100, s19;
	v36 =	vperm.xlane v31, v2;
	v32 =	vadd.f32 v40, v22;
	v22 =	vadd.f32 v39, v10  }
0x155: {  	_ = 	snop  }
0x156: {  	v24 =	vadd.f32 v30, v24;
	v26 =	vadd.f32 v33, v26  }
0x157: {  	v27 =	vadd.f32 v34, v27;
	v28 =	vadd.f32 v35, v28  }
0x158: {  	v30 =	vadd.f32 v26, v24;
	v47 =	vmul.f32 v24, v24;
	v48 =	vmul.f32 v26, v26  }
0x159: {  	v37 =	vmul.f32 v27, v27;
	v46 =	vadd.f32 v28, v27;
	v38 =	vmul.f32 v28, v28  }
0x15a: {  	v49 =	vadd.f32 v48, v47  }
0x15b: {  	v30 =	vadd.f32 v46, v30;
	v50 =	vadd.f32 v38, v37;
	_ =	sdelay $0x1  }
0x15c: {  	v33 =	vadd.f32 v50, v49;
	v51 =	vperm.xlane v30, v0;
	_ =	sdelay $0x1  }
0x15d: {  	v30 =	vadd.f32 v30, v51;
	v53 =	vperm.xlane v33, v0;
	_ =	sdelay $0x1  }
0x15e: {  	v55 =	vperm.xlane v30, v1;
	v33 =	vadd.f32 v53, v33  }
0x15f: {  	v52 =	vperm.xlane v32, v2  }
0x160: {  	v31 =	vadd.f32 v31, v36;
	v30 =	vadd.f32 v30, v55;
	v57 =	vperm.xlane v33, v1  }
0x161: {  	v32 =	vadd.f32 v52, v32  }
0x162: {  	v54 =	vperm.xlane v31, v3;
	v58 =	vperm.xlane v30, v2;
	v33 =	vadd.f32 v57, v33  }
0x163: {  	v56 =	vperm.xlane v32, v3  }
0x164: {  	v31 =	vadd.f32 v31, v54;
	v30 =	vadd.f32 v30, v58;
	v60 =	vperm.xlane v33, v2  }
0x165: {  	v32 =	vadd.f32 v56, v32  }
0x166: {  	v31 =	vmul.f32 $1.562500000e-02, v31;
	v61 =	vperm.xlane v30, v3;
	v33 =	vadd.f32 v60, v33  }
0x167: {  	v29 =	vmul.f32 v25, v29;
	v32 =	vmul.f32 $1.562500000e-02, v32  }
0x168: {  	v59 =	vmul.f32 v31, v31;
	v30 =	vadd.f32 v30, v61;
	v34 =	vperm.xlane v33, v3  }
0x169: {  	v29 =	vadd.f32 $1.500000000e+00, v29  }
0x16a: {  	v32 =	vsub.f32 v32, v59;
	v30 =	vmul.f32 $1.562500000e-02, v30;
	v33 =	vadd.f32 v34, v33  }
0x16b: {  	v62 =	vmul.f32 v25, v29  }
0x16c: {  	v32 =	vmax.f32 v32, $0.0e+00;
	v33 =	vmul.f32 $1.562500000e-02, v33;
	v36 =	vmul.f32 v30, v30  }
0x16d: {  	v12 =	vsub.f32 v12, v20;
	v32 =	vadd.f32 $9.999999960e-13, v32  }
0x16e: {  	v38 =	vmul.f32 v62, v9;
	v40 =	vmul.f32 v62, v4;
	v33 =	vsub.f32 v33, v36  }
0x16f: {  	v41 =	vmul.f32 v62, v5;
	v63 =	vmul.f32 $-5.000000000e-01, v32;
	v32 =	vshra.s32 v32, $0x1  }
0x170: {  	v25 =	vmul.f32 v62, v6;
	v37 =	vsub.s32 $0x5F3759DF, v32;
	v39 =	vmax.f32 v33, $0.0e+00  }
0x171: {  	v12 =	vmul.f32 v38, v12;
	v29 =	vmul.f32 v37, v63;
	v32 =	vadd.f32 $9.999999960e-13, v39  }
0x172: {  	v18 =	vmul.f32 v40, v18;
	v17 =	vmul.f32 v41, v17  }
0x173: {  	v29 =	vmul.f32 v37, v29;
	v42 =	vshra.s32 v32, $0x1;
	v32 =	vmul.f32 $-5.000000000e-01, v32  }
0x174: {  	v16 =	vsub.f32 v16, v31;
	v15 =	vsub.f32 v15, v31;
	v43 =	vsub.s32 $0x5F3759DF, v42  }
0x175: {  	v14 =	vsub.f32 v14, v31;
	v29 =	vadd.f32 $1.500000000e+00, v29;
	v32 =	vmul.f32 v43, v32  }
0x176: {  	v19 =	vmul.f32 v25, v19;
	v13 =	vsub.f32 v13, v31;
	v12 =	vadd.f32 v12, v11  }
0x177: {  	v18 =	vadd.f32 v18, v7;
	v20 =	vmul.f32 v37, v29;
	v45 =	vmul.f32 v43, v32  }
0x178: {  	[tilespmem:s14+$0x13180] =	vst v23;
	v17 =	vadd.f32 v17, v8;
	v19 =	vadd.f32 v19, v10  }
0x179: {  	[tilespmem:s14+$0x13190] =	vst v21;
	v44 =	vmul.f32 v20, v9;
	v47 =	vmul.f32 v20, v4;
	v46 =	vadd.f32 $1.500000000e+00, v45  }
0x17a: {  	[tilespmem:s14+$0x131A0] =	vst v22;
	v48 =	vmul.f32 v20, v5;
	v49 =	vsub.f32 v24, v30;
	v51 =	vmul.f32 v20, v6  }
0x17b: {  	[tilespmem:s15+$0x131B0] =	vst v12;
	v50 =	vsub.f32 v26, v30;
	v14 =	vmul.f32 v44, v14;
	v21 =	vmul.f32 v43, v46  }
0x17c: {  	[tilespmem:s15+$0x13180] =	vst v18;
	v52 =	vsub.f32 v27, v30;
	v53 =	vsub.f32 v28, v30;
	v16 =	vmul.f32 v47, v16  }
0x17d: {  	[tilespmem:s15+$0x13190] =	vst v17;
	v15 =	vmul.f32 v48, v15;
	v14 =	vadd.f32 v14, v11;
	v54 =	vmul.f32 v21, v9  }
0x17e: {  	[tilespmem:s15+$0x131A0] =	vst v19;
	v13 =	vmul.f32 v51, v13;
	v16 =	vadd.f32 v16, v7;
	v55 =	vmul.f32 v21, v4  }
0x17f: {  	v56 =	vadd.f32 v15, v8;
	[tilespmem:s16+$0x131B0] =	vst v14;
	v58 =	vmul.f32 v21, v5;
	v57 =	vmul.f32 v54, v53  }
0x180: {  	v13 =	vadd.f32 v13, v10;
	[tilespmem:s16+$0x13180] =	vst v16;
	v59 =	vmul.f32 v21, v6;
	v12 =	vmul.f32 v55, v49  }
0x181: {  	[tilespmem:s16+$0x13190] =	vst v56;
	v61 =	vmul.f32 v58, v50;
	v60 =	vadd.f32 v57, v11  }
0x182: {  	[tilespmem:s16+$0x131A0] =	vst v13;
	v62 =	vmul.f32 v59, v52;
	v12 =	vadd.f32 v12, v7  }
.Ltmp4:
0x183: {  	s10 =	sadd.s32 s11, s10;
	v63 =	vadd.f32 v61, v8;
	[tilespmem:s18+$0x131B0] =	vst v60;
	(pc) =	sbr.rel @p1 .LBB2_8-.Ltmp4, $4  }
0x184: {  	s10 =	smul.u32 $0xD00, s10;
	v13 =	vadd.f32 v62, v10;
	[tilespmem:s18+$0x13180] =	vst v12  }
0x185: {  	[tilespmem:s18+$0x13190] =	vst v63  }
0x186: {  	s10 =	sadd.s32 s4, s10;
	[tilespmem:s18+$0x131A0] =	vst v13  }
0x187: {  	[hbm4b:s10+s26] =	stream.strided.scatter [tilespmem:s31], [sflag:$0x4], $0x3240, s28, s26, $0x38;
	[tilespmem:$0x16380] =	vst v63  }
0x188: {  	s10 =	smul.u32 $0x680, s3;
	_ =	sdelay $0x1  }
.Ltmp5:
0x189: {  	s10 =	sshra.s32 s10, $0x2;
	(pc) =	sbr.rel .LBB2_2-.Ltmp5, $4  }
0x18a: {  	s14 =	sadd.s32 $0x270, s10  }
0x18b: {  	[tilespmem:s22], [sflag:$0x2] =	stream.indirect.gather [hbm4b:s6+s17], $0x40, s14, s17, $0xb8;
	[tilespmem:$0x16380] =	vst v63  }
0x18c: {  	s3 =	sadd.s32 $0x1, s3;
	s10 =	sadd.s32 $0x2D8, s10  }
0x18d: {  	[tilespmem:s24], [sflag:$0x2] =	stream.indirect.gather [hbm4b:s6+s17], $0x40, s10, s17, $0xb8;
	[tilespmem:$0x16380] =	vst v63  }
.LBB2_9:
0x18e: {  	_ =	sfence.sel $0x180000  }
0x18f: {  	[bflag:$0x0] =	sbarrier.arrive $0xFFFF  }
0x190: {  	_ =	strace $0x90000047  }
0x191: {  	s0 =	stileid.u32;
	[bflag:$0x2] =	sbarrier.arrive $0xFFFF  }
0x192: {  	p0 =	sne.s32 s0, $0x0;
	s0 =	rddreg [dreg:$0x4]  }
0x193: {  	s0 =	sadd.s32 @!p0 $0x100000, s0  }
0x194: {  	[sflag:s0] =	ssyncadd.tile.s32 @!p0 $0x1;
	_ =	shalt  }
.Lfunc_end2:
_tile_overlayer_lowered:
.L_overlay_start_2:
0x195: {  	(tag) =	ssettag $0x2  }
0x196: {  	s0 =	rddreg [dreg:$0x0];
	s2 =	stileid.u32  }
0x197: {  	s1 =	rddreg [dreg:$0x1];
	p0 =	sne.s32 s2, $0x0  }
0x198: {  	s3 =	rddreg [dreg:$0x2];
	[bflag:$0x3] =	sbarrier.arrive $0xFFFF;
	s2 =	simm.s32 @!p0 $0x1C05  }
0x199: {  	[timem:s3], [sflag:s2] =	dma.local @!p0 [hbm:s0], s1  }
0x19a: {  	s0 =	simm.s32 @!p0 $0x5  }
0x19b: {  	_ =	swait.ge @!p0 [sflag:s0], s1  }
0x19c: {  	s1 =	ssub.s32 @!p0 $0x0, s1;
	[sflag:s0] =	ssyncset.done @!p0 $0x0  }
0x19d: {  	[sflag:s0] =	ssyncadd.s32 @!p0 s1  }
0x19e: {  	[bflag:$0x3] =	sbarrier.arrive $0xFFFF  }
0x19f: {  	_ =	shalt  }

</sc_bundles>
